<compile_context>
chip_gen: v7x
topology: tpu7x:2x2x1
jax: 0.10.2.dev20260603
libtpu: 0.0.44.dev20260713+nightly
codegen_flags: <defaults>
</compile_context>

<pallas_src>
import jax
import jax.numpy as jnp
import numpy as np
from jax import lax
from jax.experimental import pallas as pl
from jax.experimental.pallas import tpu as pltpu
from jax.experimental.pallas import tpu_sc as plsc

_B = 16384
_EMB = 64
_BN_EPS = 1e-5
_GLOBAL_MEAN = 3.5

_NC = 2
_NS = 16
_NW = _NC * _NS
_HB = _B // 2
_BPW = _HB // _NW
_CH = 128

_BLK = 4096


def _sc_gather_body(uidx_hbm, iidx_hbm, emb2_hbm, ubias_hbm, ibias_hbm,
                    kvec_hbm,
                    u_out, i_out, bias_out,
                    uraw_v, iraw_v, ub_v, ib_v, kv_v, p0_v, p1_v,
                    sem0, sem1, semb):
    wid = lax.axis_index("s") * _NC + lax.axis_index("c")
    base = wid * _BPW
    pltpu.sync_copy(uidx_hbm.at[pl.ds(base, _BPW)], uraw_v)
    pltpu.sync_copy(iidx_hbm.at[pl.ds(base, _BPW)], iraw_v)
    pltpu.sync_copy(kvec_hbm, kv_v)
    cb_u = pltpu.async_copy(ubias_hbm.at[uraw_v], ub_v, semb)
    cb_i = pltpu.async_copy(ibias_hbm.at[iraw_v], ib_v, semb)

    bufs = (p0_v, p1_v)
    sems = (sem0, sem1)
    n_c = _BPW // _CH
    jobs = [(uraw_v, u_out, c) for c in range(n_c)] + \
           [(iraw_v, i_out, c) for c in range(n_c)]

    inflight = [None, None]
    for j, (qref, out_hbm, c) in enumerate(jobs):
        slot = j % 2
        if inflight[slot] is not None:
            inflight[slot].wait()
            prev_out, prev_c = jobs[j - 2][1], jobs[j - 2][2]
            pltpu.sync_copy(bufs[slot],
                            prev_out.at[pl.ds(base + prev_c * _CH, _CH), :])
        inflight[slot] = pltpu.async_copy(
            emb2_hbm.at[qref.at[pl.ds(c * _CH, _CH)]], bufs[slot], sems[slot])
    for j in (len(jobs) - 2, len(jobs) - 1):
        slot = j % 2
        inflight[slot].wait()
        out_hbm, c = jobs[j][1], jobs[j][2]
        pltpu.sync_copy(bufs[slot],
                        out_hbm.at[pl.ds(base + c * _CH, _CH), :])

    cb_u.wait()
    cb_i.wait()
    kv = kv_v[...]
    for j in range(_BPW // 16):
        sl = pl.ds(j * 16, 16)
        ub_v[sl] = ub_v[sl] + ib_v[sl] + kv
    pltpu.sync_copy(ub_v, bias_out.at[pl.ds(base, _BPW)])


def _sc_gather(user_idx, item_idx, emb2, ubias1d, ibias1d, kvec):
    fn = pl.kernel(
        _sc_gather_body,
        out_type=[
            jax.ShapeDtypeStruct((_HB, 2 * _EMB), jnp.float32),
            jax.ShapeDtypeStruct((_HB, 2 * _EMB), jnp.float32),
            jax.ShapeDtypeStruct((_HB,), jnp.float32),
        ],
        mesh=plsc.VectorSubcoreMesh(core_axis_name="c", subcore_axis_name="s"),
        scratch_types=[
            pltpu.VMEM((_BPW,), jnp.int32),
            pltpu.VMEM((_BPW,), jnp.int32),
            pltpu.VMEM((_BPW,), jnp.float32),
            pltpu.VMEM((_BPW,), jnp.float32),
            pltpu.VMEM((16,), jnp.float32),
            pltpu.VMEM((_CH, 2 * _EMB), jnp.float32),
            pltpu.VMEM((_CH, 2 * _EMB), jnp.float32),
            pltpu.SemaphoreType.DMA,
            pltpu.SemaphoreType.DMA,
            pltpu.SemaphoreType.DMA,
        ],
    )
    return fn(user_idx, item_idx, emb2, ubias1d, ibias1d, kvec)


def _tc_body(u_ref, i_ref, f_ref, wide_ref, bias_ref,
             w1u_ref, w1i_ref, w1ftc_ref, c1_ref,
             w2_ref, c2_ref, wout_ref, wrow_ref, out_ref):
    f32 = jnp.float32
    tdot = lambda a, b: lax.dot_general(
        a, b, (((0,), (0,)), ((), ())), preferred_element_type=f32)
    h1 = jnp.dot(u_ref[...], w1u_ref[...], preferred_element_type=f32)
    h1 = h1 + jnp.dot(i_ref[...], w1i_ref[...], preferred_element_type=f32)
    h1 = h1 + tdot(f_ref[...], w1ftc_ref[...])
    h1 = jnp.maximum(h1 + c1_ref[...], 0.0)
    h2 = jnp.dot(h1, w2_ref[...], preferred_element_type=f32)
    h2 = jnp.maximum(h2 + c2_ref[...], 0.0)
    deep = jnp.dot(h2, wout_ref[...], preferred_element_type=f32)
    wide = tdot(wide_ref[...], wrow_ref[...])
    out_ref[...] = bias_ref[...] + deep[:, 0] + wide[:, 0]


def _tc_dense(u, i, feats, wide_features, bias,
              w1u, w1i, w1ftc, c1, w2, c2, woutT, wrowT):
    grid = (_HB // _BLK,)
    return pl.pallas_call(
        _tc_body,
        grid=grid,
        in_specs=[
            pl.BlockSpec((_BLK, 2 * _EMB), lambda i: (i, 0)),
            pl.BlockSpec((_BLK, 2 * _EMB), lambda i: (i, 0)),
            pl.BlockSpec((125, _BLK), lambda i: (0, i)),
            pl.BlockSpec((36, _BLK), lambda i: (0, i)),
            pl.BlockSpec((_BLK,), lambda i: (i,)),
            pl.BlockSpec((2 * _EMB, 256), lambda i: (0, 0)),
            pl.BlockSpec((2 * _EMB, 256), lambda i: (0, 0)),
            pl.BlockSpec((125, 256), lambda i: (0, 0)),
            pl.BlockSpec((1, 256), lambda i: (0, 0)),
            pl.BlockSpec((256, 128), lambda i: (0, 0)),
            pl.BlockSpec((1, 128), lambda i: (0, 0)),
            pl.BlockSpec((128, 1), lambda i: (0, 0)),
            pl.BlockSpec((36, 1), lambda i: (0, 0)),
        ],
        out_specs=pl.BlockSpec((_BLK,), lambda i: (i,)),
        out_shape=jax.ShapeDtypeStruct((_HB,), jnp.float32),
        compiler_params=pltpu.CompilerParams(
            dimension_semantics=("arbitrary",),
        ),
    )(u, i, feats, wide_features, bias,
      w1u, w1i, w1ftc, c1, w2, c2, woutT, wrowT)


def kernel(user_idx, item_idx, genre, tag, wide_features, deep_continuous,
           user_bias, item_bias, user_emb, item_emb, wide_W, wide_b,
           W1, b1, g1, be1, W2, b2, g2, be2, Wout, bout):
    inv = np.float32(1.0 / np.sqrt(1.0 + _BN_EPS))
    s1 = g1 * inv
    s2 = g2 * inv
    w1f = (W1 * s1[:, None]).T
    c1 = (b1 * s1 + be1)[None, :]
    w2f = (W2 * s2[:, None]).T
    c2 = (b2 * s2 + be2)[None, :]
    zpad = jnp.zeros((_EMB, 256), jnp.float32)
    w1u = jnp.concatenate([w1f[:_EMB], zpad], axis=0)
    w1i = jnp.concatenate([zpad, w1f[_EMB:2 * _EMB]], axis=0)
    w1ftc = w1f[128:253]
    kvec = jnp.broadcast_to(
        wide_b[0] + bout[0] + jnp.float32(_GLOBAL_MEAN), (16,))
    emb2 = jnp.concatenate([user_emb, item_emb], axis=1)
    feats = jnp.concatenate([genre, tag, deep_continuous], axis=1).T
    wideT = wide_features.T
    ub1 = user_bias[:, 0]
    ib1 = item_bias[:, 0]
    woutT = Wout.T
    wrowT = wide_W.T
    halves = []
    for h in range(2):
        sl = slice(h * _HB, (h + 1) * _HB)
        u, i, bias = _sc_gather(user_idx[sl], item_idx[sl], emb2,
                                ub1, ib1, kvec)
        halves.append(_tc_dense(u, i, feats[:, sl], wideT[:, sl], bias,
                                w1u, w1i, w1ftc, c1, w2f, c2,
                                woutT, wrowT))
    return jnp.concatenate(halves)

# --- scband reference (transcript-rebuilt; emitter-appended) ---
"""Pipeline reference for scband-wide-deep-model-v6-4260607558177 (READ-ONLY COPY).

The authoritative reference and input builder live on the scoring server;
editing this copy changes nothing except your own understanding.
"""

import jax, jax.numpy as jnp
import numpy as np

B = 16384
N_USERS = 100000
N_ITEMS = 100000
N_GENRES = 20
N_TAGS = 100
EMB = 64
WIDE_DIM = N_GENRES + 6 + 4 + 4 + 2  # 36
DEEP_IN = EMB * 2 + N_GENRES + N_TAGS + 5  # 253
H1, H2 = 256, 128
GLOBAL_MEAN = 3.5
BN_EPS = 1e-5


def setup_inputs(seed: int = 0) -> dict:
    key = jax.random.key(seed)
    ks = jax.random.split(key, 20)
    inp = {}
    inp["user_idx"] = jax.random.randint(ks[0], (B,), 0, N_USERS, dtype=jnp.int32)
    inp["item_idx"] = jax.random.randint(ks[1], (B,), 0, N_ITEMS, dtype=jnp.int32)
    inp["genre"] = jax.random.uniform(ks[2], (B, N_GENRES), dtype=jnp.float32)
    inp["tag"] = jax.random.uniform(ks[3], (B, N_TAGS), dtype=jnp.float32)
    inp["wide_features"] = jax.random.normal(ks[4], (B, WIDE_DIM), dtype=jnp.float32)
    inp["deep_continuous"] = jax.random.normal(ks[5], (B, 5), dtype=jnp.float32)
    # parameters
    inp["user_bias"] = jax.random.normal(ks[6], (N_USERS, 1), dtype=jnp.float32) * 0.01
    inp["item_bias"] = jax.random.normal(ks[7], (N_ITEMS, 1), dtype=jnp.float32) * 0.01
    inp["user_emb"] = jax.random.normal(ks[8], (N_USERS, EMB), dtype=jnp.float32) * 0.01
    inp["item_emb"] = jax.random.normal(ks[9], (N_ITEMS, EMB), dtype=jnp.float32) * 0.01
    inp["wide_W"] = jax.random.normal(ks[10], (1, WIDE_DIM), dtype=jnp.float32) * (1.0 / np.sqrt(WIDE_DIM))
    inp["wide_b"] = jnp.zeros((1,), dtype=jnp.float32)
    inp["W1"] = jax.random.normal(ks[11], (H1, DEEP_IN), dtype=jnp.float32) * np.sqrt(2.0 / H1)
    inp["b1"] = jnp.zeros((H1,), dtype=jnp.float32)
    inp["g1"] = jnp.ones((H1,), dtype=jnp.float32)
    inp["be1"] = jnp.zeros((H1,), dtype=jnp.float32)
    inp["W2"] = jax.random.normal(ks[12], (H2, H1), dtype=jnp.float32) * np.sqrt(2.0 / H2)
    inp["b2"] = jnp.zeros((H2,), dtype=jnp.float32)
    inp["g2"] = jnp.ones((H2,), dtype=jnp.float32)
    inp["be2"] = jnp.zeros((H2,), dtype=jnp.float32)
    inp["Wout"] = jax.random.normal(ks[13], (1, H2), dtype=jnp.float32) * (1.0 / np.sqrt(H2))
    inp["bout"] = jnp.zeros((1,), dtype=jnp.float32)
    return inp


def _bn_eval(h, g, b):
    # BatchNorm1d in eval mode with running_mean=0, running_var=1
    return g * (h / jnp.sqrt(1.0 + BN_EPS)) + b


def reference(user_idx, item_idx, genre, tag, wide_features, deep_continuous,
              user_bias, item_bias, user_emb, item_emb, wide_W, wide_b,
              W1, b1, g1, be1, W2, b2, g2, be2, Wout, bout):
    u_bias = jnp.take(user_bias, user_idx, axis=0)[:, 0]
    i_bias = jnp.take(item_bias, item_idx, axis=0)[:, 0]
    wide_out = (wide_features @ wide_W.T + wide_b)[:, 0]
    u_emb = jnp.take(user_emb, user_idx, axis=0)
    i_emb = jnp.take(item_emb, item_idx, axis=0)
    deep_in = jnp.concatenate([u_emb, i_emb, genre, tag, deep_continuous], axis=1)
    x = deep_in
    x = jax.nn.relu(_bn_eval(x @ W1.T + b1, g1, be1))
    x = jax.nn.relu(_bn_eval(x @ W2.T + b2, g2, be2))
    deep_out = (x @ Wout.T + bout)[:, 0]
    return GLOBAL_MEAN + u_bias + i_bias + wide_out + deep_out

if __name__ == "__main__":
    import jax
    _d = setup_inputs()
    print(jax.jit(kernel)(*tuple(_d.values())))

</pallas_src>

<mosaic_0001>
#map = affine_map<(d0, d1) -> (0)>
#map1 = affine_map<(d0, d1) -> (0, 0)>
module attributes {stable_mosaic.version = 14 : i64} {
  func.func @_sc_gather_body(%arg0: i32, %arg1: i32, %arg2: memref<8192xi32, #tpu.memory_space<hbm>>, %arg3: memref<8192xi32, #tpu.memory_space<hbm>>, %arg4: memref<100000x128xf32, #tpu.memory_space<hbm>>, %arg5: memref<100000xf32, #tpu.memory_space<hbm>>, %arg6: memref<100000xf32, #tpu.memory_space<hbm>>, %arg7: memref<16xf32, #tpu.memory_space<hbm>>, %arg8: memref<8192x128xf32, #tpu.memory_space<hbm>>, %arg9: memref<8192x128xf32, #tpu.memory_space<hbm>>, %arg10: memref<8192xf32, #tpu.memory_space<hbm>>, %arg11: memref<256xi32, #tpu.memory_space<vmem>>, %arg12: memref<256xi32, #tpu.memory_space<vmem>>, %arg13: memref<256xf32, #tpu.memory_space<vmem>>, %arg14: memref<256xf32, #tpu.memory_space<vmem>>, %arg15: memref<16xf32, #tpu.memory_space<vmem>>, %arg16: memref<128x128xf32, #tpu.memory_space<vmem>>, %arg17: memref<128x128xf32, #tpu.memory_space<vmem>>, %arg18: memref<!tpu.dma_semaphore, #tpu.memory_space<semaphore_mem>>, %arg19: memref<!tpu.dma_semaphore, #tpu.memory_space<semaphore_mem>>, %arg20: memref<!tpu.dma_semaphore, #tpu.memory_space<semaphore_mem>>) attributes {dimension_semantics = [#tpu.dimension_semantics<core_parallel>, #tpu.dimension_semantics<subcore_parallel>], iteration_bounds = array<i64: 2, 16>, scalar_prefetch = 0 : i64, scratch_operands = 10 : i64, tpu.core_type = #tpu.core_type<sc_vector_subcore>, window_params = [{transform_indices = #map}, {transform_indices = #map}, {transform_indices = #map1}, {transform_indices = #map}, {transform_indices = #map}, {transform_indices = #map}, {transform_indices = #map1}, {transform_indices = #map1}, {transform_indices = #map}]} {
    %mul3A = arith.constant 2 : i32
    %mul3A_0 = arith.muli %arg1, %mul3A : i32
    %add3A = arith.addi %mul3A_0, %arg0 : i32
    %mul3A_1 = arith.constant 256 : i32
    %mul3A_2 = arith.muli %add3A, %mul3A_1 : i32
    "tpu.region"() ({
      %run_scoped3A = tpu.sem_alloc : memref<!tpu.dma_semaphore, #tpu.memory_space<semaphore_mem>>
      %dma_start3A_250 = tpu.memref_slice %arg2[%mul3A_2] : memref<8192xi32, #tpu.memory_space<hbm>> -> memref<256xi32, #tpu.memory_space<hbm>>
      %dma_start3A_251 = tpu.memref_slice %arg2[%mul3A_2] : memref<8192xi32, #tpu.memory_space<hbm>> -> memref<256xi32, #tpu.memory_space<hbm>>
      tpu.enqueue_dma source(%dma_start3A_251 : memref<256xi32, #tpu.memory_space<hbm>>) target(%arg11 : memref<256xi32, #tpu.memory_space<vmem>>) target_semaphore(%run_scoped3A : memref<!tpu.dma_semaphore, #tpu.memory_space<semaphore_mem>>)
      %dma_wait3A_252 = tpu.memref_slice %arg2[%mul3A_2] : memref<8192xi32, #tpu.memory_space<hbm>> -> memref<256xi32, #tpu.memory_space<hbm>>
      %dma_wait3A_253 = tpu.memref_slice %arg2[%mul3A_2] : memref<8192xi32, #tpu.memory_space<hbm>> -> memref<256xi32, #tpu.memory_space<hbm>>
      tpu.wait_dma2 semaphore(%run_scoped3A : memref<!tpu.dma_semaphore, #tpu.memory_space<semaphore_mem>>) src(%dma_wait3A_253 : memref<256xi32, #tpu.memory_space<hbm>>) dst(%arg11 : memref<256xi32, #tpu.memory_space<vmem>>)
      tpu.yield
    }) : () -> ()
    "tpu.region"() ({
      %run_scoped3A = tpu.sem_alloc : memref<!tpu.dma_semaphore, #tpu.memory_space<semaphore_mem>>
      %dma_start3A_250 = tpu.memref_slice %arg3[%mul3A_2] : memref<8192xi32, #tpu.memory_space<hbm>> -> memref<256xi32, #tpu.memory_space<hbm>>
      %dma_start3A_251 = tpu.memref_slice %arg3[%mul3A_2] : memref<8192xi32, #tpu.memory_space<hbm>> -> memref<256xi32, #tpu.memory_space<hbm>>
      tpu.enqueue_dma source(%dma_start3A_251 : memref<256xi32, #tpu.memory_space<hbm>>) target(%arg12 : memref<256xi32, #tpu.memory_space<vmem>>) target_semaphore(%run_scoped3A : memref<!tpu.dma_semaphore, #tpu.memory_space<semaphore_mem>>)
      %dma_wait3A_252 = tpu.memref_slice %arg3[%mul3A_2] : memref<8192xi32, #tpu.memory_space<hbm>> -> memref<256xi32, #tpu.memory_space<hbm>>
      %dma_wait3A_253 = tpu.memref_slice %arg3[%mul3A_2] : memref<8192xi32, #tpu.memory_space<hbm>> -> memref<256xi32, #tpu.memory_space<hbm>>
      tpu.wait_dma2 semaphore(%run_scoped3A : memref<!tpu.dma_semaphore, #tpu.memory_space<semaphore_mem>>) src(%dma_wait3A_253 : memref<256xi32, #tpu.memory_space<hbm>>) dst(%arg12 : memref<256xi32, #tpu.memory_space<vmem>>)
      tpu.yield
    }) : () -> ()
    "tpu.region"() ({
      %run_scoped3A = tpu.sem_alloc : memref<!tpu.dma_semaphore, #tpu.memory_space<semaphore_mem>>
      tpu.enqueue_dma source(%arg7 : memref<16xf32, #tpu.memory_space<hbm>>) target(%arg15 : memref<16xf32, #tpu.memory_space<vmem>>) target_semaphore(%run_scoped3A : memref<!tpu.dma_semaphore, #tpu.memory_space<semaphore_mem>>)
      tpu.wait_dma2 semaphore(%run_scoped3A : memref<!tpu.dma_semaphore, #tpu.memory_space<semaphore_mem>>) src(%arg7 : memref<16xf32, #tpu.memory_space<hbm>>) dst(%arg15 : memref<16xf32, #tpu.memory_space<vmem>>)
      tpu.yield
    }) : () -> ()
    %dma_start3A = arith.constant 0 : i32
    %dma_start3A_3 = tpu.memref_slice %arg5[%dma_start3A] : memref<100000xf32, #tpu.memory_space<hbm>> -> memref<100000xf32, #tpu.memory_space<hbm>>
    tpu.enqueue_indirect_dma source(%dma_start3A_3 : memref<100000xf32, #tpu.memory_space<hbm>>) target(%arg13 : memref<256xf32, #tpu.memory_space<vmem>>) offsets(%arg11 : memref<256xi32, #tpu.memory_space<vmem>>) semaphore(%arg20 : memref<!tpu.dma_semaphore, #tpu.memory_space<semaphore_mem>>)
    %dma_start3A_4 = arith.constant 0 : i32
    %dma_start3A_5 = tpu.memref_slice %arg6[%dma_start3A_4] : memref<100000xf32, #tpu.memory_space<hbm>> -> memref<100000xf32, #tpu.memory_space<hbm>>
    tpu.enqueue_indirect_dma source(%dma_start3A_5 : memref<100000xf32, #tpu.memory_space<hbm>>) target(%arg14 : memref<256xf32, #tpu.memory_space<vmem>>) offsets(%arg12 : memref<256xi32, #tpu.memory_space<vmem>>) semaphore(%arg20 : memref<!tpu.dma_semaphore, #tpu.memory_space<semaphore_mem>>)
    %dma_start3A_6 = arith.constant 0 : i32
    %dma_start3A_7 = tpu.memref_slice %arg11[%dma_start3A_6] : memref<256xi32, #tpu.memory_space<vmem>> -> memref<128xi32, #tpu.memory_space<vmem>>
    %dma_start3A_8 = arith.constant 0 : i32
    %dma_start3A_9 = arith.constant 0 : i32
    %dma_start3A_10 = tpu.memref_slice %arg4[%dma_start3A_8, %dma_start3A_9] : memref<100000x128xf32, #tpu.memory_space<hbm>> -> memref<100000x128xf32, #tpu.memory_space<hbm>>
    tpu.enqueue_indirect_dma source(%dma_start3A_10 : memref<100000x128xf32, #tpu.memory_space<hbm>>) target(%arg16 : memref<128x128xf32, #tpu.memory_space<vmem>>) offsets(%dma_start3A_7 : memref<128xi32, #tpu.memory_space<vmem>>) semaphore(%arg18 : memref<!tpu.dma_semaphore, #tpu.memory_space<semaphore_mem>>)
    %dma_start3A_11 = arith.constant 128 : i32
    %dma_start3A_12 = tpu.memref_slice %arg11[%dma_start3A_11] : memref<256xi32, #tpu.memory_space<vmem>> -> memref<128xi32, #tpu.memory_space<vmem>>
    %dma_start3A_13 = arith.constant 0 : i32
    %dma_start3A_14 = arith.constant 0 : i32
    %dma_start3A_15 = tpu.memref_slice %arg4[%dma_start3A_13, %dma_start3A_14] : memref<100000x128xf32, #tpu.memory_space<hbm>> -> memref<100000x128xf32, #tpu.memory_space<hbm>>
    tpu.enqueue_indirect_dma source(%dma_start3A_15 : memref<100000x128xf32, #tpu.memory_space<hbm>>) target(%arg17 : memref<128x128xf32, #tpu.memory_space<vmem>>) offsets(%dma_start3A_12 : memref<128xi32, #tpu.memory_space<vmem>>) semaphore(%arg19 : memref<!tpu.dma_semaphore, #tpu.memory_space<semaphore_mem>>)
    %dma_wait3A = arith.constant 0 : i32
    %dma_wait3A_16 = tpu.memref_slice %arg11[%dma_wait3A] : memref<256xi32, #tpu.memory_space<vmem>> -> memref<128xi32, #tpu.memory_space<vmem>>
    %dma_wait3A_17 = arith.constant 0 : i32
    %dma_wait3A_18 = arith.constant 0 : i32
    %dma_wait3A_19 = tpu.memref_slice %arg4[%dma_wait3A_17, %dma_wait3A_18] : memref<100000x128xf32, #tpu.memory_space<hbm>> -> memref<100000x128xf32, #tpu.memory_space<hbm>>
    tpu.wait_indirect_dma semaphore(%arg18 : memref<!tpu.dma_semaphore, #tpu.memory_space<semaphore_mem>>) src(%dma_wait3A_19 : memref<100000x128xf32, #tpu.memory_space<hbm>>) dst(%arg16 : memref<128x128xf32, #tpu.memory_space<vmem>>)
    %add3A_20 = arith.constant 0 : i32
    %add3A_21 = arith.addi %mul3A_2, %add3A_20 : i32
    "tpu.region"() ({
      %run_scoped3A = tpu.sem_alloc : memref<!tpu.dma_semaphore, #tpu.memory_space<semaphore_mem>>
      %dma_start3A_250 = arith.constant 0 : i32
      %dma_start3A_251 = tpu.memref_slice %arg8[%add3A_21, %dma_start3A_250] : memref<8192x128xf32, #tpu.memory_space<hbm>> -> memref<128x128xf32, #tpu.memory_space<hbm>>
      %dma_start3A_252 = arith.constant 0 : i32
      %dma_start3A_253 = tpu.memref_slice %arg8[%add3A_21, %dma_start3A_252] : memref<8192x128xf32, #tpu.memory_space<hbm>> -> memref<128x128xf32, #tpu.memory_space<hbm>>
      tpu.enqueue_dma source(%arg16 : memref<128x128xf32, #tpu.memory_space<vmem>>) target(%dma_start3A_253 : memref<128x128xf32, #tpu.memory_space<hbm>>) target_semaphore(%run_scoped3A : memref<!tpu.dma_semaphore, #tpu.memory_space<semaphore_mem>>)
      %dma_wait3A_254 = arith.constant 0 : i32
      %dma_wait3A_255 = tpu.memref_slice %arg8[%add3A_21, %dma_wait3A_254] : memref<8192x128xf32, #tpu.memory_space<hbm>> -> memref<128x128xf32, #tpu.memory_space<hbm>>
      %dma_wait3A_256 = arith.constant 0 : i32
      %dma_wait3A_257 = tpu.memref_slice %arg8[%add3A_21, %dma_wait3A_256] : memref<8192x128xf32, #tpu.memory_space<hbm>> -> memref<128x128xf32, #tpu.memory_space<hbm>>
      tpu.wait_dma2 semaphore(%run_scoped3A : memref<!tpu.dma_semaphore, #tpu.memory_space<semaphore_mem>>) src(%arg16 : memref<128x128xf32, #tpu.memory_space<vmem>>) dst(%dma_wait3A_257 : memref<128x128xf32, #tpu.memory_space<hbm>>)
      tpu.yield
    }) : () -> ()
    %dma_start3A_22 = arith.constant 0 : i32
    %dma_start3A_23 = tpu.memref_slice %arg12[%dma_start3A_22] : memref<256xi32, #tpu.memory_space<vmem>> -> memref<128xi32, #tpu.memory_space<vmem>>
    %dma_start3A_24 = arith.constant 0 : i32
    %dma_start3A_25 = arith.constant 0 : i32
    %dma_start3A_26 = tpu.memref_slice %arg4[%dma_start3A_24, %dma_start3A_25] : memref<100000x128xf32, #tpu.memory_space<hbm>> -> memref<100000x128xf32, #tpu.memory_space<hbm>>
    tpu.enqueue_indirect_dma source(%dma_start3A_26 : memref<100000x128xf32, #tpu.memory_space<hbm>>) target(%arg16 : memref<128x128xf32, #tpu.memory_space<vmem>>) offsets(%dma_start3A_23 : memref<128xi32, #tpu.memory_space<vmem>>) semaphore(%arg18 : memref<!tpu.dma_semaphore, #tpu.memory_space<semaphore_mem>>)
    %dma_wait3A_27 = arith.constant 128 : i32
    %dma_wait3A_28 = tpu.memref_slice %arg11[%dma_wait3A_27] : memref<256xi32, #tpu.memory_space<vmem>> -> memref<128xi32, #tpu.memory_space<vmem>>
    %dma_wait3A_29 = arith.constant 0 : i32
    %dma_wait3A_30 = arith.constant 0 : i32
    %dma_wait3A_31 = tpu.memref_slice %arg4[%dma_wait3A_29, %dma_wait3A_30] : memref<100000x128xf32, #tpu.memory_space<hbm>> -> memref<100000x128xf32, #tpu.memory_space<hbm>>
    tpu.wait_indirect_dma semaphore(%arg19 : memref<!tpu.dma_semaphore, #tpu.memory_space<semaphore_mem>>) src(%dma_wait3A_31 : memref<100000x128xf32, #tpu.memory_space<hbm>>) dst(%arg17 : memref<128x128xf32, #tpu.memory_space<vmem>>)
    %add3A_32 = arith.constant 128 : i32
    %add3A_33 = arith.addi %mul3A_2, %add3A_32 : i32
    "tpu.region"() ({
      %run_scoped3A = tpu.sem_alloc : memref<!tpu.dma_semaphore, #tpu.memory_space<semaphore_mem>>
      %dma_start3A_250 = arith.constant 0 : i32
      %dma_start3A_251 = tpu.memref_slice %arg8[%add3A_33, %dma_start3A_250] : memref<8192x128xf32, #tpu.memory_space<hbm>> -> memref<128x128xf32, #tpu.memory_space<hbm>>
      %dma_start3A_252 = arith.constant 0 : i32
      %dma_start3A_253 = tpu.memref_slice %arg8[%add3A_33, %dma_start3A_252] : memref<8192x128xf32, #tpu.memory_space<hbm>> -> memref<128x128xf32, #tpu.memory_space<hbm>>
      tpu.enqueue_dma source(%arg17 : memref<128x128xf32, #tpu.memory_space<vmem>>) target(%dma_start3A_253 : memref<128x128xf32, #tpu.memory_space<hbm>>) target_semaphore(%run_scoped3A : memref<!tpu.dma_semaphore, #tpu.memory_space<semaphore_mem>>)
      %dma_wait3A_254 = arith.constant 0 : i32
      %dma_wait3A_255 = tpu.memref_slice %arg8[%add3A_33, %dma_wait3A_254] : memref<8192x128xf32, #tpu.memory_space<hbm>> -> memref<128x128xf32, #tpu.memory_space<hbm>>
      %dma_wait3A_256 = arith.constant 0 : i32
      %dma_wait3A_257 = tpu.memref_slice %arg8[%add3A_33, %dma_wait3A_256] : memref<8192x128xf32, #tpu.memory_space<hbm>> -> memref<128x128xf32, #tpu.memory_space<hbm>>
      tpu.wait_dma2 semaphore(%run_scoped3A : memref<!tpu.dma_semaphore, #tpu.memory_space<semaphore_mem>>) src(%arg17 : memref<128x128xf32, #tpu.memory_space<vmem>>) dst(%dma_wait3A_257 : memref<128x128xf32, #tpu.memory_space<hbm>>)
      tpu.yield
    }) : () -> ()
    %dma_start3A_34 = arith.constant 128 : i32
    %dma_start3A_35 = tpu.memref_slice %arg12[%dma_start3A_34] : memref<256xi32, #tpu.memory_space<vmem>> -> memref<128xi32, #tpu.memory_space<vmem>>
    %dma_start3A_36 = arith.constant 0 : i32
    %dma_start3A_37 = arith.constant 0 : i32
    %dma_start3A_38 = tpu.memref_slice %arg4[%dma_start3A_36, %dma_start3A_37] : memref<100000x128xf32, #tpu.memory_space<hbm>> -> memref<100000x128xf32, #tpu.memory_space<hbm>>
    tpu.enqueue_indirect_dma source(%dma_start3A_38 : memref<100000x128xf32, #tpu.memory_space<hbm>>) target(%arg17 : memref<128x128xf32, #tpu.memory_space<vmem>>) offsets(%dma_start3A_35 : memref<128xi32, #tpu.memory_space<vmem>>) semaphore(%arg19 : memref<!tpu.dma_semaphore, #tpu.memory_space<semaphore_mem>>)
    %dma_wait3A_39 = arith.constant 0 : i32
    %dma_wait3A_40 = tpu.memref_slice %arg12[%dma_wait3A_39] : memref<256xi32, #tpu.memory_space<vmem>> -> memref<128xi32, #tpu.memory_space<vmem>>
    %dma_wait3A_41 = arith.constant 0 : i32
    %dma_wait3A_42 = arith.constant 0 : i32
    %dma_wait3A_43 = tpu.memref_slice %arg4[%dma_wait3A_41, %dma_wait3A_42] : memref<100000x128xf32, #tpu.memory_space<hbm>> -> memref<100000x128xf32, #tpu.memory_space<hbm>>
    tpu.wait_indirect_dma semaphore(%arg18 : memref<!tpu.dma_semaphore, #tpu.memory_space<semaphore_mem>>) src(%dma_wait3A_43 : memref<100000x128xf32, #tpu.memory_space<hbm>>) dst(%arg16 : memref<128x128xf32, #tpu.memory_space<vmem>>)
    %add3A_44 = arith.constant 0 : i32
    %add3A_45 = arith.addi %mul3A_2, %add3A_44 : i32
    "tpu.region"() ({
      %run_scoped3A = tpu.sem_alloc : memref<!tpu.dma_semaphore, #tpu.memory_space<semaphore_mem>>
      %dma_start3A_250 = arith.constant 0 : i32
      %dma_start3A_251 = tpu.memref_slice %arg9[%add3A_45, %dma_start3A_250] : memref<8192x128xf32, #tpu.memory_space<hbm>> -> memref<128x128xf32, #tpu.memory_space<hbm>>
      %dma_start3A_252 = arith.constant 0 : i32
      %dma_start3A_253 = tpu.memref_slice %arg9[%add3A_45, %dma_start3A_252] : memref<8192x128xf32, #tpu.memory_space<hbm>> -> memref<128x128xf32, #tpu.memory_space<hbm>>
      tpu.enqueue_dma source(%arg16 : memref<128x128xf32, #tpu.memory_space<vmem>>) target(%dma_start3A_253 : memref<128x128xf32, #tpu.memory_space<hbm>>) target_semaphore(%run_scoped3A : memref<!tpu.dma_semaphore, #tpu.memory_space<semaphore_mem>>)
      %dma_wait3A_254 = arith.constant 0 : i32
      %dma_wait3A_255 = tpu.memref_slice %arg9[%add3A_45, %dma_wait3A_254] : memref<8192x128xf32, #tpu.memory_space<hbm>> -> memref<128x128xf32, #tpu.memory_space<hbm>>
      %dma_wait3A_256 = arith.constant 0 : i32
      %dma_wait3A_257 = tpu.memref_slice %arg9[%add3A_45, %dma_wait3A_256] : memref<8192x128xf32, #tpu.memory_space<hbm>> -> memref<128x128xf32, #tpu.memory_space<hbm>>
      tpu.wait_dma2 semaphore(%run_scoped3A : memref<!tpu.dma_semaphore, #tpu.memory_space<semaphore_mem>>) src(%arg16 : memref<128x128xf32, #tpu.memory_space<vmem>>) dst(%dma_wait3A_257 : memref<128x128xf32, #tpu.memory_space<hbm>>)
      tpu.yield
    }) : () -> ()
    %dma_wait3A_46 = arith.constant 128 : i32
    %dma_wait3A_47 = tpu.memref_slice %arg12[%dma_wait3A_46] : memref<256xi32, #tpu.memory_space<vmem>> -> memref<128xi32, #tpu.memory_space<vmem>>
    %dma_wait3A_48 = arith.constant 0 : i32
    %dma_wait3A_49 = arith.constant 0 : i32
    %dma_wait3A_50 = tpu.memref_slice %arg4[%dma_wait3A_48, %dma_wait3A_49] : memref<100000x128xf32, #tpu.memory_space<hbm>> -> memref<100000x128xf32, #tpu.memory_space<hbm>>
    tpu.wait_indirect_dma semaphore(%arg19 : memref<!tpu.dma_semaphore, #tpu.memory_space<semaphore_mem>>) src(%dma_wait3A_50 : memref<100000x128xf32, #tpu.memory_space<hbm>>) dst(%arg17 : memref<128x128xf32, #tpu.memory_space<vmem>>)
    %add3A_51 = arith.constant 128 : i32
    %add3A_52 = arith.addi %mul3A_2, %add3A_51 : i32
    "tpu.region"() ({
      %run_scoped3A = tpu.sem_alloc : memref<!tpu.dma_semaphore, #tpu.memory_space<semaphore_mem>>
      %dma_start3A_250 = arith.constant 0 : i32
      %dma_start3A_251 = tpu.memref_slice %arg9[%add3A_52, %dma_start3A_250] : memref<8192x128xf32, #tpu.memory_space<hbm>> -> memref<128x128xf32, #tpu.memory_space<hbm>>
      %dma_start3A_252 = arith.constant 0 : i32
      %dma_start3A_253 = tpu.memref_slice %arg9[%add3A_52, %dma_start3A_252] : memref<8192x128xf32, #tpu.memory_space<hbm>> -> memref<128x128xf32, #tpu.memory_space<hbm>>
      tpu.enqueue_dma source(%arg17 : memref<128x128xf32, #tpu.memory_space<vmem>>) target(%dma_start3A_253 : memref<128x128xf32, #tpu.memory_space<hbm>>) target_semaphore(%run_scoped3A : memref<!tpu.dma_semaphore, #tpu.memory_space<semaphore_mem>>)
      %dma_wait3A_254 = arith.constant 0 : i32
      %dma_wait3A_255 = tpu.memref_slice %arg9[%add3A_52, %dma_wait3A_254] : memref<8192x128xf32, #tpu.memory_space<hbm>> -> memref<128x128xf32, #tpu.memory_space<hbm>>
      %dma_wait3A_256 = arith.constant 0 : i32
      %dma_wait3A_257 = tpu.memref_slice %arg9[%add3A_52, %dma_wait3A_256] : memref<8192x128xf32, #tpu.memory_space<hbm>> -> memref<128x128xf32, #tpu.memory_space<hbm>>
      tpu.wait_dma2 semaphore(%run_scoped3A : memref<!tpu.dma_semaphore, #tpu.memory_space<semaphore_mem>>) src(%arg17 : memref<128x128xf32, #tpu.memory_space<vmem>>) dst(%dma_wait3A_257 : memref<128x128xf32, #tpu.memory_space<hbm>>)
      tpu.yield
    }) : () -> ()
    %dma_wait3A_53 = arith.constant 0 : i32
    %dma_wait3A_54 = tpu.memref_slice %arg5[%dma_wait3A_53] : memref<100000xf32, #tpu.memory_space<hbm>> -> memref<100000xf32, #tpu.memory_space<hbm>>
    tpu.wait_indirect_dma semaphore(%arg20 : memref<!tpu.dma_semaphore, #tpu.memory_space<semaphore_mem>>) src(%dma_wait3A_54 : memref<100000xf32, #tpu.memory_space<hbm>>) dst(%arg13 : memref<256xf32, #tpu.memory_space<vmem>>)
    %dma_wait3A_55 = arith.constant 0 : i32
    %dma_wait3A_56 = tpu.memref_slice %arg6[%dma_wait3A_55] : memref<100000xf32, #tpu.memory_space<hbm>> -> memref<100000xf32, #tpu.memory_space<hbm>>
    tpu.wait_indirect_dma semaphore(%arg20 : memref<!tpu.dma_semaphore, #tpu.memory_space<semaphore_mem>>) src(%dma_wait3A_56 : memref<100000xf32, #tpu.memory_space<hbm>>) dst(%arg14 : memref<256xf32, #tpu.memory_space<vmem>>)
    %get3A = arith.constant 0 : index
    %get3A_57 = tpu.vector_load %arg15[%get3A] {strides = array<i32>} : memref<16xf32, #tpu.memory_space<vmem>>, vector<16xf32>,
    %get3A_58 = vector.shape_cast %get3A_57 : vector<16xf32> to vector<16xf32>
    %get3A_59 = arith.constant 0 : index
    %get3A_60 = tpu.vector_load %arg13[%get3A_59] {strides = array<i32>} : memref<256xf32, #tpu.memory_space<vmem>>, vector<16xf32>,
    %get3A_61 = vector.shape_cast %get3A_60 : vector<16xf32> to vector<16xf32>
    %get3A_62 = arith.constant 0 : index
    %get3A_63 = tpu.vector_load %arg14[%get3A_62] {strides = array<i32>} : memref<256xf32, #tpu.memory_space<vmem>>, vector<16xf32>,
    %get3A_64 = vector.shape_cast %get3A_63 : vector<16xf32> to vector<16xf32>
    %add3A_65 = arith.addf %get3A_61, %get3A_64 : vector<16xf32>
    %add3A_66 = arith.addf %add3A_65, %get3A_58 : vector<16xf32>
    %swap3A = arith.constant 0 : index
    %swap3A_67 = tpu.vector_load %arg13[%swap3A] {strides = array<i32>} : memref<256xf32, #tpu.memory_space<vmem>>, vector<16xf32>,
    %swap3A_68 = vector.shape_cast %swap3A_67 : vector<16xf32> to vector<16xf32>
    %swap3A_69 = vector.shape_cast %add3A_66 : vector<16xf32> to vector<16xf32>
    tpu.vector_store %arg13[%swap3A], %swap3A_69 {strides = array<i32>} : memref<256xf32, #tpu.memory_space<vmem>>, vector<16xf32>,
    %get3A_70 = arith.constant 16 : index
    %get3A_71 = tpu.vector_load %arg13[%get3A_70] {strides = array<i32>} : memref<256xf32, #tpu.memory_space<vmem>>, vector<16xf32>,
    %get3A_72 = vector.shape_cast %get3A_71 : vector<16xf32> to vector<16xf32>
    %get3A_73 = arith.constant 16 : index
    %get3A_74 = tpu.vector_load %arg14[%get3A_73] {strides = array<i32>} : memref<256xf32, #tpu.memory_space<vmem>>, vector<16xf32>,
    %get3A_75 = vector.shape_cast %get3A_74 : vector<16xf32> to vector<16xf32>
    %add3A_76 = arith.addf %get3A_72, %get3A_75 : vector<16xf32>
    %add3A_77 = arith.addf %add3A_76, %get3A_58 : vector<16xf32>
    %swap3A_78 = arith.constant 16 : index
    %swap3A_79 = tpu.vector_load %arg13[%swap3A_78] {strides = array<i32>} : memref<256xf32, #tpu.memory_space<vmem>>, vector<16xf32>,
    %swap3A_80 = vector.shape_cast %swap3A_79 : vector<16xf32> to vector<16xf32>
    %swap3A_81 = vector.shape_cast %add3A_77 : vector<16xf32> to vector<16xf32>
    tpu.vector_store %arg13[%swap3A_78], %swap3A_81 {strides = array<i32>} : memref<256xf32, #tpu.memory_space<vmem>>, vector<16xf32>,
    %get3A_82 = arith.constant 32 : index
    %get3A_83 = tpu.vector_load %arg13[%get3A_82] {strides = array<i32>} : memref<256xf32, #tpu.memory_space<vmem>>, vector<16xf32>,
    %get3A_84 = vector.shape_cast %get3A_83 : vector<16xf32> to vector<16xf32>
    %get3A_85 = arith.constant 32 : index
    %get3A_86 = tpu.vector_load %arg14[%get3A_85] {strides = array<i32>} : memref<256xf32, #tpu.memory_space<vmem>>, vector<16xf32>,
    %get3A_87 = vector.shape_cast %get3A_86 : vector<16xf32> to vector<16xf32>
    %add3A_88 = arith.addf %get3A_84, %get3A_87 : vector<16xf32>
    %add3A_89 = arith.addf %add3A_88, %get3A_58 : vector<16xf32>
    %swap3A_90 = arith.constant 32 : index
    %swap3A_91 = tpu.vector_load %arg13[%swap3A_90] {strides = array<i32>} : memref<256xf32, #tpu.memory_space<vmem>>, vector<16xf32>,
    %swap3A_92 = vector.shape_cast %swap3A_91 : vector<16xf32> to vector<16xf32>
    %swap3A_93 = vector.shape_cast %add3A_89 : vector<16xf32> to vector<16xf32>
    tpu.vector_store %arg13[%swap3A_90], %swap3A_93 {strides = array<i32>} : memref<256xf32, #tpu.memory_space<vmem>>, vector<16xf32>,
    %get3A_94 = arith.constant 48 : index
    %get3A_95 = tpu.vector_load %arg13[%get3A_94] {strides = array<i32>} : memref<256xf32, #tpu.memory_space<vmem>>, vector<16xf32>,
    %get3A_96 = vector.shape_cast %get3A_95 : vector<16xf32> to vector<16xf32>
    %get3A_97 = arith.constant 48 : index
    %get3A_98 = tpu.vector_load %arg14[%get3A_97] {strides = array<i32>} : memref<256xf32, #tpu.memory_space<vmem>>, vector<16xf32>,
    %get3A_99 = vector.shape_cast %get3A_98 : vector<16xf32> to vector<16xf32>
    %add3A_100 = arith.addf %get3A_96, %get3A_99 : vector<16xf32>
    %add3A_101 = arith.addf %add3A_100, %get3A_58 : vector<16xf32>
    %swap3A_102 = arith.constant 48 : index
    %swap3A_103 = tpu.vector_load %arg13[%swap3A_102] {strides = array<i32>} : memref<256xf32, #tpu.memory_space<vmem>>, vector<16xf32>,
    %swap3A_104 = vector.shape_cast %swap3A_103 : vector<16xf32> to vector<16xf32>
    %swap3A_105 = vector.shape_cast %add3A_101 : vector<16xf32> to vector<16xf32>
    tpu.vector_store %arg13[%swap3A_102], %swap3A_105 {strides = array<i32>} : memref<256xf32, #tpu.memory_space<vmem>>, vector<16xf32>,
    %get3A_106 = arith.constant 64 : index
    %get3A_107 = tpu.vector_load %arg13[%get3A_106] {strides = array<i32>} : memref<256xf32, #tpu.memory_space<vmem>>, vector<16xf32>,
    %get3A_108 = vector.shape_cast %get3A_107 : vector<16xf32> to vector<16xf32>
    %get3A_109 = arith.constant 64 : index
    %get3A_110 = tpu.vector_load %arg14[%get3A_109] {strides = array<i32>} : memref<256xf32, #tpu.memory_space<vmem>>, vector<16xf32>,
    %get3A_111 = vector.shape_cast %get3A_110 : vector<16xf32> to vector<16xf32>
    %add3A_112 = arith.addf %get3A_108, %get3A_111 : vector<16xf32>
    %add3A_113 = arith.addf %add3A_112, %get3A_58 : vector<16xf32>
    %swap3A_114 = arith.constant 64 : index
    %swap3A_115 = tpu.vector_load %arg13[%swap3A_114] {strides = array<i32>} : memref<256xf32, #tpu.memory_space<vmem>>, vector<16xf32>,
    %swap3A_116 = vector.shape_cast %swap3A_115 : vector<16xf32> to vector<16xf32>
    %swap3A_117 = vector.shape_cast %add3A_113 : vector<16xf32> to vector<16xf32>
    tpu.vector_store %arg13[%swap3A_114], %swap3A_117 {strides = array<i32>} : memref<256xf32, #tpu.memory_space<vmem>>, vector<16xf32>,
    %get3A_118 = arith.constant 80 : index
    %get3A_119 = tpu.vector_load %arg13[%get3A_118] {strides = array<i32>} : memref<256xf32, #tpu.memory_space<vmem>>, vector<16xf32>,
    %get3A_120 = vector.shape_cast %get3A_119 : vector<16xf32> to vector<16xf32>
    %get3A_121 = arith.constant 80 : index
    %get3A_122 = tpu.vector_load %arg14[%get3A_121] {strides = array<i32>} : memref<256xf32, #tpu.memory_space<vmem>>, vector<16xf32>,
    %get3A_123 = vector.shape_cast %get3A_122 : vector<16xf32> to vector<16xf32>
    %add3A_124 = arith.addf %get3A_120, %get3A_123 : vector<16xf32>
    %add3A_125 = arith.addf %add3A_124, %get3A_58 : vector<16xf32>
    %swap3A_126 = arith.constant 80 : index
    %swap3A_127 = tpu.vector_load %arg13[%swap3A_126] {strides = array<i32>} : memref<256xf32, #tpu.memory_space<vmem>>, vector<16xf32>,
    %swap3A_128 = vector.shape_cast %swap3A_127 : vector<16xf32> to vector<16xf32>
    %swap3A_129 = vector.shape_cast %add3A_125 : vector<16xf32> to vector<16xf32>
    tpu.vector_store %arg13[%swap3A_126], %swap3A_129 {strides = array<i32>} : memref<256xf32, #tpu.memory_space<vmem>>, vector<16xf32>,
    %get3A_130 = arith.constant 96 : index
    %get3A_131 = tpu.vector_load %arg13[%get3A_130] {strides = array<i32>} : memref<256xf32, #tpu.memory_space<vmem>>, vector<16xf32>,
    %get3A_132 = vector.shape_cast %get3A_131 : vector<16xf32> to vector<16xf32>
    %get3A_133 = arith.constant 96 : index
    %get3A_134 = tpu.vector_load %arg14[%get3A_133] {strides = array<i32>} : memref<256xf32, #tpu.memory_space<vmem>>, vector<16xf32>,
    %get3A_135 = vector.shape_cast %get3A_134 : vector<16xf32> to vector<16xf32>
    %add3A_136 = arith.addf %get3A_132, %get3A_135 : vector<16xf32>
    %add3A_137 = arith.addf %add3A_136, %get3A_58 : vector<16xf32>
    %swap3A_138 = arith.constant 96 : index
    %swap3A_139 = tpu.vector_load %arg13[%swap3A_138] {strides = array<i32>} : memref<256xf32, #tpu.memory_space<vmem>>, vector<16xf32>,
    %swap3A_140 = vector.shape_cast %swap3A_139 : vector<16xf32> to vector<16xf32>
    %swap3A_141 = vector.shape_cast %add3A_137 : vector<16xf32> to vector<16xf32>
    tpu.vector_store %arg13[%swap3A_138], %swap3A_141 {strides = array<i32>} : memref<256xf32, #tpu.memory_space<vmem>>, vector<16xf32>,
    %get3A_142 = arith.constant 112 : index
    %get3A_143 = tpu.vector_load %arg13[%get3A_142] {strides = array<i32>} : memref<256xf32, #tpu.memory_space<vmem>>, vector<16xf32>,
    %get3A_144 = vector.shape_cast %get3A_143 : vector<16xf32> to vector<16xf32>
    %get3A_145 = arith.constant 112 : index
    %get3A_146 = tpu.vector_load %arg14[%get3A_145] {strides = array<i32>} : memref<256xf32, #tpu.memory_space<vmem>>, vector<16xf32>,
    %get3A_147 = vector.shape_cast %get3A_146 : vector<16xf32> to vector<16xf32>
    %add3A_148 = arith.addf %get3A_144, %get3A_147 : vector<16xf32>
    %add3A_149 = arith.addf %add3A_148, %get3A_58 : vector<16xf32>
    %swap3A_150 = arith.constant 112 : index
    %swap3A_151 = tpu.vector_load %arg13[%swap3A_150] {strides = array<i32>} : memref<256xf32, #tpu.memory_space<vmem>>, vector<16xf32>,
    %swap3A_152 = vector.shape_cast %swap3A_151 : vector<16xf32> to vector<16xf32>
    %swap3A_153 = vector.shape_cast %add3A_149 : vector<16xf32> to vector<16xf32>
    tpu.vector_store %arg13[%swap3A_150], %swap3A_153 {strides = array<i32>} : memref<256xf32, #tpu.memory_space<vmem>>, vector<16xf32>,
    %get3A_154 = arith.constant 128 : index
    %get3A_155 = tpu.vector_load %arg13[%get3A_154] {strides = array<i32>} : memref<256xf32, #tpu.memory_space<vmem>>, vector<16xf32>,
    %get3A_156 = vector.shape_cast %get3A_155 : vector<16xf32> to vector<16xf32>
    %get3A_157 = arith.constant 128 : index
    %get3A_158 = tpu.vector_load %arg14[%get3A_157] {strides = array<i32>} : memref<256xf32, #tpu.memory_space<vmem>>, vector<16xf32>,
    %get3A_159 = vector.shape_cast %get3A_158 : vector<16xf32> to vector<16xf32>
    %add3A_160 = arith.addf %get3A_156, %get3A_159 : vector<16xf32>
    %add3A_161 = arith.addf %add3A_160, %get3A_58 : vector<16xf32>
    %swap3A_162 = arith.constant 128 : index
    %swap3A_163 = tpu.vector_load %arg13[%swap3A_162] {strides = array<i32>} : memref<256xf32, #tpu.memory_space<vmem>>, vector<16xf32>,
    %swap3A_164 = vector.shape_cast %swap3A_163 : vector<16xf32> to vector<16xf32>
    %swap3A_165 = vector.shape_cast %add3A_161 : vector<16xf32> to vector<16xf32>
    tpu.vector_store %arg13[%swap3A_162], %swap3A_165 {strides = array<i32>} : memref<256xf32, #tpu.memory_space<vmem>>, vector<16xf32>,
    %get3A_166 = arith.constant 144 : index
    %get3A_167 = tpu.vector_load %arg13[%get3A_166] {strides = array<i32>} : memref<256xf32, #tpu.memory_space<vmem>>, vector<16xf32>,
    %get3A_168 = vector.shape_cast %get3A_167 : vector<16xf32> to vector<16xf32>
    %get3A_169 = arith.constant 144 : index
    %get3A_170 = tpu.vector_load %arg14[%get3A_169] {strides = array<i32>} : memref<256xf32, #tpu.memory_space<vmem>>, vector<16xf32>,
    %get3A_171 = vector.shape_cast %get3A_170 : vector<16xf32> to vector<16xf32>
    %add3A_172 = arith.addf %get3A_168, %get3A_171 : vector<16xf32>
    %add3A_173 = arith.addf %add3A_172, %get3A_58 : vector<16xf32>
    %swap3A_174 = arith.constant 144 : index
    %swap3A_175 = tpu.vector_load %arg13[%swap3A_174] {strides = array<i32>} : memref<256xf32, #tpu.memory_space<vmem>>, vector<16xf32>,
    %swap3A_176 = vector.shape_cast %swap3A_175 : vector<16xf32> to vector<16xf32>
    %swap3A_177 = vector.shape_cast %add3A_173 : vector<16xf32> to vector<16xf32>
    tpu.vector_store %arg13[%swap3A_174], %swap3A_177 {strides = array<i32>} : memref<256xf32, #tpu.memory_space<vmem>>, vector<16xf32>,
    %get3A_178 = arith.constant 160 : index
    %get3A_179 = tpu.vector_load %arg13[%get3A_178] {strides = array<i32>} : memref<256xf32, #tpu.memory_space<vmem>>, vector<16xf32>,
    %get3A_180 = vector.shape_cast %get3A_179 : vector<16xf32> to vector<16xf32>
    %get3A_181 = arith.constant 160 : index
    %get3A_182 = tpu.vector_load %arg14[%get3A_181] {strides = array<i32>} : memref<256xf32, #tpu.memory_space<vmem>>, vector<16xf32>,
    %get3A_183 = vector.shape_cast %get3A_182 : vector<16xf32> to vector<16xf32>
    %add3A_184 = arith.addf %get3A_180, %get3A_183 : vector<16xf32>
    %add3A_185 = arith.addf %add3A_184, %get3A_58 : vector<16xf32>
    %swap3A_186 = arith.constant 160 : index
    %swap3A_187 = tpu.vector_load %arg13[%swap3A_186] {strides = array<i32>} : memref<256xf32, #tpu.memory_space<vmem>>, vector<16xf32>,
    %swap3A_188 = vector.shape_cast %swap3A_187 : vector<16xf32> to vector<16xf32>
    %swap3A_189 = vector.shape_cast %add3A_185 : vector<16xf32> to vector<16xf32>
    tpu.vector_store %arg13[%swap3A_186], %swap3A_189 {strides = array<i32>} : memref<256xf32, #tpu.memory_space<vmem>>, vector<16xf32>,
    %get3A_190 = arith.constant 176 : index
    %get3A_191 = tpu.vector_load %arg13[%get3A_190] {strides = array<i32>} : memref<256xf32, #tpu.memory_space<vmem>>, vector<16xf32>,
    %get3A_192 = vector.shape_cast %get3A_191 : vector<16xf32> to vector<16xf32>
    %get3A_193 = arith.constant 176 : index
    %get3A_194 = tpu.vector_load %arg14[%get3A_193] {strides = array<i32>} : memref<256xf32, #tpu.memory_space<vmem>>, vector<16xf32>,
    %get3A_195 = vector.shape_cast %get3A_194 : vector<16xf32> to vector<16xf32>
    %add3A_196 = arith.addf %get3A_192, %get3A_195 : vector<16xf32>
    %add3A_197 = arith.addf %add3A_196, %get3A_58 : vector<16xf32>
    %swap3A_198 = arith.constant 176 : index
    %swap3A_199 = tpu.vector_load %arg13[%swap3A_198] {strides = array<i32>} : memref<256xf32, #tpu.memory_space<vmem>>, vector<16xf32>,
    %swap3A_200 = vector.shape_cast %swap3A_199 : vector<16xf32> to vector<16xf32>
    %swap3A_201 = vector.shape_cast %add3A_197 : vector<16xf32> to vector<16xf32>
    tpu.vector_store %arg13[%swap3A_198], %swap3A_201 {strides = array<i32>} : memref<256xf32, #tpu.memory_space<vmem>>, vector<16xf32>,
    %get3A_202 = arith.constant 192 : index
    %get3A_203 = tpu.vector_load %arg13[%get3A_202] {strides = array<i32>} : memref<256xf32, #tpu.memory_space<vmem>>, vector<16xf32>,
    %get3A_204 = vector.shape_cast %get3A_203 : vector<16xf32> to vector<16xf32>
    %get3A_205 = arith.constant 192 : index
    %get3A_206 = tpu.vector_load %arg14[%get3A_205] {strides = array<i32>} : memref<256xf32, #tpu.memory_space<vmem>>, vector<16xf32>,
    %get3A_207 = vector.shape_cast %get3A_206 : vector<16xf32> to vector<16xf32>
    %add3A_208 = arith.addf %get3A_204, %get3A_207 : vector<16xf32>
    %add3A_209 = arith.addf %add3A_208, %get3A_58 : vector<16xf32>
    %swap3A_210 = arith.constant 192 : index
    %swap3A_211 = tpu.vector_load %arg13[%swap3A_210] {strides = array<i32>} : memref<256xf32, #tpu.memory_space<vmem>>, vector<16xf32>,
    %swap3A_212 = vector.shape_cast %swap3A_211 : vector<16xf32> to vector<16xf32>
    %swap3A_213 = vector.shape_cast %add3A_209 : vector<16xf32> to vector<16xf32>
    tpu.vector_store %arg13[%swap3A_210], %swap3A_213 {strides = array<i32>} : memref<256xf32, #tpu.memory_space<vmem>>, vector<16xf32>,
    %get3A_214 = arith.constant 208 : index
    %get3A_215 = tpu.vector_load %arg13[%get3A_214] {strides = array<i32>} : memref<256xf32, #tpu.memory_space<vmem>>, vector<16xf32>,
    %get3A_216 = vector.shape_cast %get3A_215 : vector<16xf32> to vector<16xf32>
    %get3A_217 = arith.constant 208 : index
    %get3A_218 = tpu.vector_load %arg14[%get3A_217] {strides = array<i32>} : memref<256xf32, #tpu.memory_space<vmem>>, vector<16xf32>,
    %get3A_219 = vector.shape_cast %get3A_218 : vector<16xf32> to vector<16xf32>
    %add3A_220 = arith.addf %get3A_216, %get3A_219 : vector<16xf32>
    %add3A_221 = arith.addf %add3A_220, %get3A_58 : vector<16xf32>
    %swap3A_222 = arith.constant 208 : index
    %swap3A_223 = tpu.vector_load %arg13[%swap3A_222] {strides = array<i32>} : memref<256xf32, #tpu.memory_space<vmem>>, vector<16xf32>,
    %swap3A_224 = vector.shape_cast %swap3A_223 : vector<16xf32> to vector<16xf32>
    %swap3A_225 = vector.shape_cast %add3A_221 : vector<16xf32> to vector<16xf32>
    tpu.vector_store %arg13[%swap3A_222], %swap3A_225 {strides = array<i32>} : memref<256xf32, #tpu.memory_space<vmem>>, vector<16xf32>,
    %get3A_226 = arith.constant 224 : index
    %get3A_227 = tpu.vector_load %arg13[%get3A_226] {strides = array<i32>} : memref<256xf32, #tpu.memory_space<vmem>>, vector<16xf32>,
    %get3A_228 = vector.shape_cast %get3A_227 : vector<16xf32> to vector<16xf32>
    %get3A_229 = arith.constant 224 : index
    %get3A_230 = tpu.vector_load %arg14[%get3A_229] {strides = array<i32>} : memref<256xf32, #tpu.memory_space<vmem>>, vector<16xf32>,
    %get3A_231 = vector.shape_cast %get3A_230 : vector<16xf32> to vector<16xf32>
    %add3A_232 = arith.addf %get3A_228, %get3A_231 : vector<16xf32>
    %add3A_233 = arith.addf %add3A_232, %get3A_58 : vector<16xf32>
    %swap3A_234 = arith.constant 224 : index
    %swap3A_235 = tpu.vector_load %arg13[%swap3A_234] {strides = array<i32>} : memref<256xf32, #tpu.memory_space<vmem>>, vector<16xf32>,
    %swap3A_236 = vector.shape_cast %swap3A_235 : vector<16xf32> to vector<16xf32>
    %swap3A_237 = vector.shape_cast %add3A_233 : vector<16xf32> to vector<16xf32>
    tpu.vector_store %arg13[%swap3A_234], %swap3A_237 {strides = array<i32>} : memref<256xf32, #tpu.memory_space<vmem>>, vector<16xf32>,
    %get3A_238 = arith.constant 240 : index
    %get3A_239 = tpu.vector_load %arg13[%get3A_238] {strides = array<i32>} : memref<256xf32, #tpu.memory_space<vmem>>, vector<16xf32>,
    %get3A_240 = vector.shape_cast %get3A_239 : vector<16xf32> to vector<16xf32>
    %get3A_241 = arith.constant 240 : index
    %get3A_242 = tpu.vector_load %arg14[%get3A_241] {strides = array<i32>} : memref<256xf32, #tpu.memory_space<vmem>>, vector<16xf32>,
    %get3A_243 = vector.shape_cast %get3A_242 : vector<16xf32> to vector<16xf32>
    %add3A_244 = arith.addf %get3A_240, %get3A_243 : vector<16xf32>
    %add3A_245 = arith.addf %add3A_244, %get3A_58 : vector<16xf32>
    %swap3A_246 = arith.constant 240 : index
    %swap3A_247 = tpu.vector_load %arg13[%swap3A_246] {strides = array<i32>} : memref<256xf32, #tpu.memory_space<vmem>>, vector<16xf32>,
    %swap3A_248 = vector.shape_cast %swap3A_247 : vector<16xf32> to vector<16xf32>
    %swap3A_249 = vector.shape_cast %add3A_245 : vector<16xf32> to vector<16xf32>
    tpu.vector_store %arg13[%swap3A_246], %swap3A_249 {strides = array<i32>} : memref<256xf32, #tpu.memory_space<vmem>>, vector<16xf32>,
    "tpu.region"() ({
      %run_scoped3A = tpu.sem_alloc : memref<!tpu.dma_semaphore, #tpu.memory_space<semaphore_mem>>
      %dma_start3A_250 = tpu.memref_slice %arg10[%mul3A_2] : memref<8192xf32, #tpu.memory_space<hbm>> -> memref<256xf32, #tpu.memory_space<hbm>>
      %dma_start3A_251 = tpu.memref_slice %arg10[%mul3A_2] : memref<8192xf32, #tpu.memory_space<hbm>> -> memref<256xf32, #tpu.memory_space<hbm>>
      tpu.enqueue_dma source(%arg13 : memref<256xf32, #tpu.memory_space<vmem>>) target(%dma_start3A_251 : memref<256xf32, #tpu.memory_space<hbm>>) target_semaphore(%run_scoped3A : memref<!tpu.dma_semaphore, #tpu.memory_space<semaphore_mem>>)
      %dma_wait3A_252 = tpu.memref_slice %arg10[%mul3A_2] : memref<8192xf32, #tpu.memory_space<hbm>> -> memref<256xf32, #tpu.memory_space<hbm>>
      %dma_wait3A_253 = tpu.memref_slice %arg10[%mul3A_2] : memref<8192xf32, #tpu.memory_space<hbm>> -> memref<256xf32, #tpu.memory_space<hbm>>
      tpu.wait_dma2 semaphore(%run_scoped3A : memref<!tpu.dma_semaphore, #tpu.memory_space<semaphore_mem>>) src(%arg13 : memref<256xf32, #tpu.memory_space<vmem>>) dst(%dma_wait3A_253 : memref<256xf32, #tpu.memory_space<hbm>>)
      tpu.yield
    }) : () -> ()
    return
  }
}

#map = affine_map<(d0, d1) -> (0)>
#map1 = affine_map<(d0, d1) -> (0, 0)>
module attributes {stable_mosaic.version = 14 : i64} {
  func.func @_sc_gather_body(%arg0: i32, %arg1: i32, %arg2: memref<8192xi32, #tpu.memory_space<hbm>>, %arg3: memref<8192xi32, #tpu.memory_space<hbm>>, %arg4: memref<100000x128xf32, #tpu.memory_space<hbm>>, %arg5: memref<100000xf32, #tpu.memory_space<hbm>>, %arg6: memref<100000xf32, #tpu.memory_space<hbm>>, %arg7: memref<16xf32, #tpu.memory_space<hbm>>, %arg8: memref<8192x128xf32, #tpu.memory_space<hbm>>, %arg9: memref<8192x128xf32, #tpu.memory_space<hbm>>, %arg10: memref<8192xf32, #tpu.memory_space<hbm>>, %arg11: memref<256xi32, #tpu.memory_space<vmem>>, %arg12: memref<256xi32, #tpu.memory_space<vmem>>, %arg13: memref<256xf32, #tpu.memory_space<vmem>>, %arg14: memref<256xf32, #tpu.memory_space<vmem>>, %arg15: memref<16xf32, #tpu.memory_space<vmem>>, %arg16: memref<128x128xf32, #tpu.memory_space<vmem>>, %arg17: memref<128x128xf32, #tpu.memory_space<vmem>>, %arg18: memref<!tpu.dma_semaphore, #tpu.memory_space<semaphore_mem>>, %arg19: memref<!tpu.dma_semaphore, #tpu.memory_space<semaphore_mem>>, %arg20: memref<!tpu.dma_semaphore, #tpu.memory_space<semaphore_mem>>) attributes {dimension_semantics = [#tpu.dimension_semantics<core_parallel>, #tpu.dimension_semantics<subcore_parallel>], iteration_bounds = array<i64: 2, 16>, scalar_prefetch = 0 : i64, scratch_operands = 10 : i64, tpu.core_type = #tpu.core_type<sc_vector_subcore>, window_params = [{transform_indices = #map}, {transform_indices = #map}, {transform_indices = #map1}, {transform_indices = #map}, {transform_indices = #map}, {transform_indices = #map}, {transform_indices = #map1}, {transform_indices = #map1}, {transform_indices = #map}]} {
    %mul3A = arith.constant 2 : i32
    %mul3A_0 = arith.muli %arg1, %mul3A : i32
    %add3A = arith.addi %mul3A_0, %arg0 : i32
    %mul3A_1 = arith.constant 256 : i32
    %mul3A_2 = arith.muli %add3A, %mul3A_1 : i32
    "tpu.region"() ({
      %run_scoped3A = tpu.sem_alloc : memref<!tpu.dma_semaphore, #tpu.memory_space<semaphore_mem>>
      %dma_start3A_250 = tpu.memref_slice %arg2[%mul3A_2] : memref<8192xi32, #tpu.memory_space<hbm>> -> memref<256xi32, #tpu.memory_space<hbm>>
      %dma_start3A_251 = tpu.memref_slice %arg2[%mul3A_2] : memref<8192xi32, #tpu.memory_space<hbm>> -> memref<256xi32, #tpu.memory_space<hbm>>
      tpu.enqueue_dma source(%dma_start3A_251 : memref<256xi32, #tpu.memory_space<hbm>>) target(%arg11 : memref<256xi32, #tpu.memory_space<vmem>>) target_semaphore(%run_scoped3A : memref<!tpu.dma_semaphore, #tpu.memory_space<semaphore_mem>>)
      %dma_wait3A_252 = tpu.memref_slice %arg2[%mul3A_2] : memref<8192xi32, #tpu.memory_space<hbm>> -> memref<256xi32, #tpu.memory_space<hbm>>
      %dma_wait3A_253 = tpu.memref_slice %arg2[%mul3A_2] : memref<8192xi32, #tpu.memory_space<hbm>> -> memref<256xi32, #tpu.memory_space<hbm>>
      tpu.wait_dma2 semaphore(%run_scoped3A : memref<!tpu.dma_semaphore, #tpu.memory_space<semaphore_mem>>) src(%dma_wait3A_253 : memref<256xi32, #tpu.memory_space<hbm>>) dst(%arg11 : memref<256xi32, #tpu.memory_space<vmem>>)
      tpu.yield
    }) : () -> ()
    "tpu.region"() ({
      %run_scoped3A = tpu.sem_alloc : memref<!tpu.dma_semaphore, #tpu.memory_space<semaphore_mem>>
      %dma_start3A_250 = tpu.memref_slice %arg3[%mul3A_2] : memref<8192xi32, #tpu.memory_space<hbm>> -> memref<256xi32, #tpu.memory_space<hbm>>
      %dma_start3A_251 = tpu.memref_slice %arg3[%mul3A_2] : memref<8192xi32, #tpu.memory_space<hbm>> -> memref<256xi32, #tpu.memory_space<hbm>>
      tpu.enqueue_dma source(%dma_start3A_251 : memref<256xi32, #tpu.memory_space<hbm>>) target(%arg12 : memref<256xi32, #tpu.memory_space<vmem>>) target_semaphore(%run_scoped3A : memref<!tpu.dma_semaphore, #tpu.memory_space<semaphore_mem>>)
      %dma_wait3A_252 = tpu.memref_slice %arg3[%mul3A_2] : memref<8192xi32, #tpu.memory_space<hbm>> -> memref<256xi32, #tpu.memory_space<hbm>>
      %dma_wait3A_253 = tpu.memref_slice %arg3[%mul3A_2] : memref<8192xi32, #tpu.memory_space<hbm>> -> memref<256xi32, #tpu.memory_space<hbm>>
      tpu.wait_dma2 semaphore(%run_scoped3A : memref<!tpu.dma_semaphore, #tpu.memory_space<semaphore_mem>>) src(%dma_wait3A_253 : memref<256xi32, #tpu.memory_space<hbm>>) dst(%arg12 : memref<256xi32, #tpu.memory_space<vmem>>)
      tpu.yield
    }) : () -> ()
    "tpu.region"() ({
      %run_scoped3A = tpu.sem_alloc : memref<!tpu.dma_semaphore, #tpu.memory_space<semaphore_mem>>
      tpu.enqueue_dma source(%arg7 : memref<16xf32, #tpu.memory_space<hbm>>) target(%arg15 : memref<16xf32, #tpu.memory_space<vmem>>) target_semaphore(%run_scoped3A : memref<!tpu.dma_semaphore, #tpu.memory_space<semaphore_mem>>)
      tpu.wait_dma2 semaphore(%run_scoped3A : memref<!tpu.dma_semaphore, #tpu.memory_space<semaphore_mem>>) src(%arg7 : memref<16xf32, #tpu.memory_space<hbm>>) dst(%arg15 : memref<16xf32, #tpu.memory_space<vmem>>)
      tpu.yield
    }) : () -> ()
    %dma_start3A = arith.constant 0 : i32
    %dma_start3A_3 = tpu.memref_slice %arg5[%dma_start3A] : memref<100000xf32, #tpu.memory_space<hbm>> -> memref<100000xf32, #tpu.memory_space<hbm>>
    tpu.enqueue_indirect_dma source(%dma_start3A_3 : memref<100000xf32, #tpu.memory_space<hbm>>) target(%arg13 : memref<256xf32, #tpu.memory_space<vmem>>) offsets(%arg11 : memref<256xi32, #tpu.memory_space<vmem>>) semaphore(%arg20 : memref<!tpu.dma_semaphore, #tpu.memory_space<semaphore_mem>>)
    %dma_start3A_4 = arith.constant 0 : i32
    %dma_start3A_5 = tpu.memref_slice %arg6[%dma_start3A_4] : memref<100000xf32, #tpu.memory_space<hbm>> -> memref<100000xf32, #tpu.memory_space<hbm>>
    tpu.enqueue_indirect_dma source(%dma_start3A_5 : memref<100000xf32, #tpu.memory_space<hbm>>) target(%arg14 : memref<256xf32, #tpu.memory_space<vmem>>) offsets(%arg12 : memref<256xi32, #tpu.memory_space<vmem>>) semaphore(%arg20 : memref<!tpu.dma_semaphore, #tpu.memory_space<semaphore_mem>>)
    %dma_start3A_6 = arith.constant 0 : i32
    %dma_start3A_7 = tpu.memref_slice %arg11[%dma_start3A_6] : memref<256xi32, #tpu.memory_space<vmem>> -> memref<128xi32, #tpu.memory_space<vmem>>
    %dma_start3A_8 = arith.constant 0 : i32
    %dma_start3A_9 = arith.constant 0 : i32
    %dma_start3A_10 = tpu.memref_slice %arg4[%dma_start3A_8, %dma_start3A_9] : memref<100000x128xf32, #tpu.memory_space<hbm>> -> memref<100000x128xf32, #tpu.memory_space<hbm>>
    tpu.enqueue_indirect_dma source(%dma_start3A_10 : memref<100000x128xf32, #tpu.memory_space<hbm>>) target(%arg16 : memref<128x128xf32, #tpu.memory_space<vmem>>) offsets(%dma_start3A_7 : memref<128xi32, #tpu.memory_space<vmem>>) semaphore(%arg18 : memref<!tpu.dma_semaphore, #tpu.memory_space<semaphore_mem>>)
    %dma_start3A_11 = arith.constant 128 : i32
    %dma_start3A_12 = tpu.memref_slice %arg11[%dma_start3A_11] : memref<256xi32, #tpu.memory_space<vmem>> -> memref<128xi32, #tpu.memory_space<vmem>>
    %dma_start3A_13 = arith.constant 0 : i32
    %dma_start3A_14 = arith.constant 0 : i32
    %dma_start3A_15 = tpu.memref_slice %arg4[%dma_start3A_13, %dma_start3A_14] : memref<100000x128xf32, #tpu.memory_space<hbm>> -> memref<100000x128xf32, #tpu.memory_space<hbm>>
    tpu.enqueue_indirect_dma source(%dma_start3A_15 : memref<100000x128xf32, #tpu.memory_space<hbm>>) target(%arg17 : memref<128x128xf32, #tpu.memory_space<vmem>>) offsets(%dma_start3A_12 : memref<128xi32, #tpu.memory_space<vmem>>) semaphore(%arg19 : memref<!tpu.dma_semaphore, #tpu.memory_space<semaphore_mem>>)
    %dma_wait3A = arith.constant 0 : i32
    %dma_wait3A_16 = tpu.memref_slice %arg11[%dma_wait3A] : memref<256xi32, #tpu.memory_space<vmem>> -> memref<128xi32, #tpu.memory_space<vmem>>
    %dma_wait3A_17 = arith.constant 0 : i32
    %dma_wait3A_18 = arith.constant 0 : i32
    %dma_wait3A_19 = tpu.memref_slice %arg4[%dma_wait3A_17, %dma_wait3A_18] : memref<100000x128xf32, #tpu.memory_space<hbm>> -> memref<100000x128xf32, #tpu.memory_space<hbm>>
    tpu.wait_indirect_dma semaphore(%arg18 : memref<!tpu.dma_semaphore, #tpu.memory_space<semaphore_mem>>) src(%dma_wait3A_19 : memref<100000x128xf32, #tpu.memory_space<hbm>>) dst(%arg16 : memref<128x128xf32, #tpu.memory_space<vmem>>)
    %add3A_20 = arith.constant 0 : i32
    %add3A_21 = arith.addi %mul3A_2, %add3A_20 : i32
    "tpu.region"() ({
      %run_scoped3A = tpu.sem_alloc : memref<!tpu.dma_semaphore, #tpu.memory_space<semaphore_mem>>
      %dma_start3A_250 = arith.constant 0 : i32
      %dma_start3A_251 = tpu.memref_slice %arg8[%add3A_21, %dma_start3A_250] : memref<8192x128xf32, #tpu.memory_space<hbm>> -> memref<128x128xf32, #tpu.memory_space<hbm>>
      %dma_start3A_252 = arith.constant 0 : i32
      %dma_start3A_253 = tpu.memref_slice %arg8[%add3A_21, %dma_start3A_252] : memref<8192x128xf32, #tpu.memory_space<hbm>> -> memref<128x128xf32, #tpu.memory_space<hbm>>
      tpu.enqueue_dma source(%arg16 : memref<128x128xf32, #tpu.memory_space<vmem>>) target(%dma_start3A_253 : memref<128x128xf32, #tpu.memory_space<hbm>>) target_semaphore(%run_scoped3A : memref<!tpu.dma_semaphore, #tpu.memory_space<semaphore_mem>>)
      %dma_wait3A_254 = arith.constant 0 : i32
      %dma_wait3A_255 = tpu.memref_slice %arg8[%add3A_21, %dma_wait3A_254] : memref<8192x128xf32, #tpu.memory_space<hbm>> -> memref<128x128xf32, #tpu.memory_space<hbm>>
      %dma_wait3A_256 = arith.constant 0 : i32
      %dma_wait3A_257 = tpu.memref_slice %arg8[%add3A_21, %dma_wait3A_256] : memref<8192x128xf32, #tpu.memory_space<hbm>> -> memref<128x128xf32, #tpu.memory_space<hbm>>
      tpu.wait_dma2 semaphore(%run_scoped3A : memref<!tpu.dma_semaphore, #tpu.memory_space<semaphore_mem>>) src(%arg16 : memref<128x128xf32, #tpu.memory_space<vmem>>) dst(%dma_wait3A_257 : memref<128x128xf32, #tpu.memory_space<hbm>>)
      tpu.yield
    }) : () -> ()
    %dma_start3A_22 = arith.constant 0 : i32
    %dma_start3A_23 = tpu.memref_slice %arg12[%dma_start3A_22] : memref<256xi32, #tpu.memory_space<vmem>> -> memref<128xi32, #tpu.memory_space<vmem>>
    %dma_start3A_24 = arith.constant 0 : i32
    %dma_start3A_25 = arith.constant 0 : i32
    %dma_start3A_26 = tpu.memref_slice %arg4[%dma_start3A_24, %dma_start3A_25] : memref<100000x128xf32, #tpu.memory_space<hbm>> -> memref<100000x128xf32, #tpu.memory_space<hbm>>
    tpu.enqueue_indirect_dma source(%dma_start3A_26 : memref<100000x128xf32, #tpu.memory_space<hbm>>) target(%arg16 : memref<128x128xf32, #tpu.memory_space<vmem>>) offsets(%dma_start3A_23 : memref<128xi32, #tpu.memory_space<vmem>>) semaphore(%arg18 : memref<!tpu.dma_semaphore, #tpu.memory_space<semaphore_mem>>)
    %dma_wait3A_27 = arith.constant 128 : i32
    %dma_wait3A_28 = tpu.memref_slice %arg11[%dma_wait3A_27] : memref<256xi32, #tpu.memory_space<vmem>> -> memref<128xi32, #tpu.memory_space<vmem>>
    %dma_wait3A_29 = arith.constant 0 : i32
    %dma_wait3A_30 = arith.constant 0 : i32
    %dma_wait3A_31 = tpu.memref_slice %arg4[%dma_wait3A_29, %dma_wait3A_30] : memref<100000x128xf32, #tpu.memory_space<hbm>> -> memref<100000x128xf32, #tpu.memory_space<hbm>>
    tpu.wait_indirect_dma semaphore(%arg19 : memref<!tpu.dma_semaphore, #tpu.memory_space<semaphore_mem>>) src(%dma_wait3A_31 : memref<100000x128xf32, #tpu.memory_space<hbm>>) dst(%arg17 : memref<128x128xf32, #tpu.memory_space<vmem>>)
    %add3A_32 = arith.constant 128 : i32
    %add3A_33 = arith.addi %mul3A_2, %add3A_32 : i32
    "tpu.region"() ({
      %run_scoped3A = tpu.sem_alloc : memref<!tpu.dma_semaphore, #tpu.memory_space<semaphore_mem>>
      %dma_start3A_250 = arith.constant 0 : i32
      %dma_start3A_251 = tpu.memref_slice %arg8[%add3A_33, %dma_start3A_250] : memref<8192x128xf32, #tpu.memory_space<hbm>> -> memref<128x128xf32, #tpu.memory_space<hbm>>
      %dma_start3A_252 = arith.constant 0 : i32
      %dma_start3A_253 = tpu.memref_slice %arg8[%add3A_33, %dma_start3A_252] : memref<8192x128xf32, #tpu.memory_space<hbm>> -> memref<128x128xf32, #tpu.memory_space<hbm>>
      tpu.enqueue_dma source(%arg17 : memref<128x128xf32, #tpu.memory_space<vmem>>) target(%dma_start3A_253 : memref<128x128xf32, #tpu.memory_space<hbm>>) target_semaphore(%run_scoped3A : memref<!tpu.dma_semaphore, #tpu.memory_space<semaphore_mem>>)
      %dma_wait3A_254 = arith.constant 0 : i32
      %dma_wait3A_255 = tpu.memref_slice %arg8[%add3A_33, %dma_wait3A_254] : memref<8192x128xf32, #tpu.memory_space<hbm>> -> memref<128x128xf32, #tpu.memory_space<hbm>>
      %dma_wait3A_256 = arith.constant 0 : i32
      %dma_wait3A_257 = tpu.memref_slice %arg8[%add3A_33, %dma_wait3A_256] : memref<8192x128xf32, #tpu.memory_space<hbm>> -> memref<128x128xf32, #tpu.memory_space<hbm>>
      tpu.wait_dma2 semaphore(%run_scoped3A : memref<!tpu.dma_semaphore, #tpu.memory_space<semaphore_mem>>) src(%arg17 : memref<128x128xf32, #tpu.memory_space<vmem>>) dst(%dma_wait3A_257 : memref<128x128xf32, #tpu.memory_space<hbm>>)
      tpu.yield
    }) : () -> ()
    %dma_start3A_34 = arith.constant 128 : i32
    %dma_start3A_35 = tpu.memref_slice %arg12[%dma_start3A_34] : memref<256xi32, #tpu.memory_space<vmem>> -> memref<128xi32, #tpu.memory_space<vmem>>
    %dma_start3A_36 = arith.constant 0 : i32
    %dma_start3A_37 = arith.constant 0 : i32
    %dma_start3A_38 = tpu.memref_slice %arg4[%dma_start3A_36, %dma_start3A_37] : memref<100000x128xf32, #tpu.memory_space<hbm>> -> memref<100000x128xf32, #tpu.memory_space<hbm>>
    tpu.enqueue_indirect_dma source(%dma_start3A_38 : memref<100000x128xf32, #tpu.memory_space<hbm>>) target(%arg17 : memref<128x128xf32, #tpu.memory_space<vmem>>) offsets(%dma_start3A_35 : memref<128xi32, #tpu.memory_space<vmem>>) semaphore(%arg19 : memref<!tpu.dma_semaphore, #tpu.memory_space<semaphore_mem>>)
    %dma_wait3A_39 = arith.constant 0 : i32
    %dma_wait3A_40 = tpu.memref_slice %arg12[%dma_wait3A_39] : memref<256xi32, #tpu.memory_space<vmem>> -> memref<128xi32, #tpu.memory_space<vmem>>
    %dma_wait3A_41 = arith.constant 0 : i32
    %dma_wait3A_42 = arith.constant 0 : i32
    %dma_wait3A_43 = tpu.memref_slice %arg4[%dma_wait3A_41, %dma_wait3A_42] : memref<100000x128xf32, #tpu.memory_space<hbm>> -> memref<100000x128xf32, #tpu.memory_space<hbm>>
    tpu.wait_indirect_dma semaphore(%arg18 : memref<!tpu.dma_semaphore, #tpu.memory_space<semaphore_mem>>) src(%dma_wait3A_43 : memref<100000x128xf32, #tpu.memory_space<hbm>>) dst(%arg16 : memref<128x128xf32, #tpu.memory_space<vmem>>)
    %add3A_44 = arith.constant 0 : i32
    %add3A_45 = arith.addi %mul3A_2, %add3A_44 : i32
    "tpu.region"() ({
      %run_scoped3A = tpu.sem_alloc : memref<!tpu.dma_semaphore, #tpu.memory_space<semaphore_mem>>
      %dma_start3A_250 = arith.constant 0 : i32
      %dma_start3A_251 = tpu.memref_slice %arg9[%add3A_45, %dma_start3A_250] : memref<8192x128xf32, #tpu.memory_space<hbm>> -> memref<128x128xf32, #tpu.memory_space<hbm>>
      %dma_start3A_252 = arith.constant 0 : i32
      %dma_start3A_253 = tpu.memref_slice %arg9[%add3A_45, %dma_start3A_252] : memref<8192x128xf32, #tpu.memory_space<hbm>> -> memref<128x128xf32, #tpu.memory_space<hbm>>
      tpu.enqueue_dma source(%arg16 : memref<128x128xf32, #tpu.memory_space<vmem>>) target(%dma_start3A_253 : memref<128x128xf32, #tpu.memory_space<hbm>>) target_semaphore(%run_scoped3A : memref<!tpu.dma_semaphore, #tpu.memory_space<semaphore_mem>>)
      %dma_wait3A_254 = arith.constant 0 : i32
      %dma_wait3A_255 = tpu.memref_slice %arg9[%add3A_45, %dma_wait3A_254] : memref<8192x128xf32, #tpu.memory_space<hbm>> -> memref<128x128xf32, #tpu.memory_space<hbm>>
      %dma_wait3A_256 = arith.constant 0 : i32
      %dma_wait3A_257 = tpu.memref_slice %arg9[%add3A_45, %dma_wait3A_256] : memref<8192x128xf32, #tpu.memory_space<hbm>> -> memref<128x128xf32, #tpu.memory_space<hbm>>
      tpu.wait_dma2 semaphore(%run_scoped3A : memref<!tpu.dma_semaphore, #tpu.memory_space<semaphore_mem>>) src(%arg16 : memref<128x128xf32, #tpu.memory_space<vmem>>) dst(%dma_wait3A_257 : memref<128x128xf32, #tpu.memory_space<hbm>>)
      tpu.yield
    }) : () -> ()
    %dma_wait3A_46 = arith.constant 128 : i32
    %dma_wait3A_47 = tpu.memref_slice %arg12[%dma_wait3A_46] : memref<256xi32, #tpu.memory_space<vmem>> -> memref<128xi32, #tpu.memory_space<vmem>>
    %dma_wait3A_48 = arith.constant 0 : i32
    %dma_wait3A_49 = arith.constant 0 : i32
    %dma_wait3A_50 = tpu.memref_slice %arg4[%dma_wait3A_48, %dma_wait3A_49] : memref<100000x128xf32, #tpu.memory_space<hbm>> -> memref<100000x128xf32, #tpu.memory_space<hbm>>
    tpu.wait_indirect_dma semaphore(%arg19 : memref<!tpu.dma_semaphore, #tpu.memory_space<semaphore_mem>>) src(%dma_wait3A_50 : memref<100000x128xf32, #tpu.memory_space<hbm>>) dst(%arg17 : memref<128x128xf32, #tpu.memory_space<vmem>>)
    %add3A_51 = arith.constant 128 : i32
    %add3A_52 = arith.addi %mul3A_2, %add3A_51 : i32
    "tpu.region"() ({
      %run_scoped3A = tpu.sem_alloc : memref<!tpu.dma_semaphore, #tpu.memory_space<semaphore_mem>>
      %dma_start3A_250 = arith.constant 0 : i32
      %dma_start3A_251 = tpu.memref_slice %arg9[%add3A_52, %dma_start3A_250] : memref<8192x128xf32, #tpu.memory_space<hbm>> -> memref<128x128xf32, #tpu.memory_space<hbm>>
      %dma_start3A_252 = arith.constant 0 : i32
      %dma_start3A_253 = tpu.memref_slice %arg9[%add3A_52, %dma_start3A_252] : memref<8192x128xf32, #tpu.memory_space<hbm>> -> memref<128x128xf32, #tpu.memory_space<hbm>>
      tpu.enqueue_dma source(%arg17 : memref<128x128xf32, #tpu.memory_space<vmem>>) target(%dma_start3A_253 : memref<128x128xf32, #tpu.memory_space<hbm>>) target_semaphore(%run_scoped3A : memref<!tpu.dma_semaphore, #tpu.memory_space<semaphore_mem>>)
      %dma_wait3A_254 = arith.constant 0 : i32
      %dma_wait3A_255 = tpu.memref_slice %arg9[%add3A_52, %dma_wait3A_254] : memref<8192x128xf32, #tpu.memory_space<hbm>> -> memref<128x128xf32, #tpu.memory_space<hbm>>
      %dma_wait3A_256 = arith.constant 0 : i32
      %dma_wait3A_257 = tpu.memref_slice %arg9[%add3A_52, %dma_wait3A_256] : memref<8192x128xf32, #tpu.memory_space<hbm>> -> memref<128x128xf32, #tpu.memory_space<hbm>>
      tpu.wait_dma2 semaphore(%run_scoped3A : memref<!tpu.dma_semaphore, #tpu.memory_space<semaphore_mem>>) src(%arg17 : memref<128x128xf32, #tpu.memory_space<vmem>>) dst(%dma_wait3A_257 : memref<128x128xf32, #tpu.memory_space<hbm>>)
      tpu.yield
    }) : () -> ()
    %dma_wait3A_53 = arith.constant 0 : i32
    %dma_wait3A_54 = tpu.memref_slice %arg5[%dma_wait3A_53] : memref<100000xf32, #tpu.memory_space<hbm>> -> memref<100000xf32, #tpu.memory_space<hbm>>
    tpu.wait_indirect_dma semaphore(%arg20 : memref<!tpu.dma_semaphore, #tpu.memory_space<semaphore_mem>>) src(%dma_wait3A_54 : memref<100000xf32, #tpu.memory_space<hbm>>) dst(%arg13 : memref<256xf32, #tpu.memory_space<vmem>>)
    %dma_wait3A_55 = arith.constant 0 : i32
    %dma_wait3A_56 = tpu.memref_slice %arg6[%dma_wait3A_55] : memref<100000xf32, #tpu.memory_space<hbm>> -> memref<100000xf32, #tpu.memory_space<hbm>>
    tpu.wait_indirect_dma semaphore(%arg20 : memref<!tpu.dma_semaphore, #tpu.memory_space<semaphore_mem>>) src(%dma_wait3A_56 : memref<100000xf32, #tpu.memory_space<hbm>>) dst(%arg14 : memref<256xf32, #tpu.memory_space<vmem>>)
    %get3A = arith.constant 0 : index
    %get3A_57 = tpu.vector_load %arg15[%get3A] {strides = array<i32>} : memref<16xf32, #tpu.memory_space<vmem>>, vector<16xf32>,
    %get3A_58 = vector.shape_cast %get3A_57 : vector<16xf32> to vector<16xf32>
    %get3A_59 = arith.constant 0 : index
    %get3A_60 = tpu.vector_load %arg13[%get3A_59] {strides = array<i32>} : memref<256xf32, #tpu.memory_space<vmem>>, vector<16xf32>,
    %get3A_61 = vector.shape_cast %get3A_60 : vector<16xf32> to vector<16xf32>
    %get3A_62 = arith.constant 0 : index
    %get3A_63 = tpu.vector_load %arg14[%get3A_62] {strides = array<i32>} : memref<256xf32, #tpu.memory_space<vmem>>, vector<16xf32>,
    %get3A_64 = vector.shape_cast %get3A_63 : vector<16xf32> to vector<16xf32>
    %add3A_65 = arith.addf %get3A_61, %get3A_64 : vector<16xf32>
    %add3A_66 = arith.addf %add3A_65, %get3A_58 : vector<16xf32>
    %swap3A = arith.constant 0 : index
    %swap3A_67 = tpu.vector_load %arg13[%swap3A] {strides = array<i32>} : memref<256xf32, #tpu.memory_space<vmem>>, vector<16xf32>,
    %swap3A_68 = vector.shape_cast %swap3A_67 : vector<16xf32> to vector<16xf32>
    %swap3A_69 = vector.shape_cast %add3A_66 : vector<16xf32> to vector<16xf32>
    tpu.vector_store %arg13[%swap3A], %swap3A_69 {strides = array<i32>} : memref<256xf32, #tpu.memory_space<vmem>>, vector<16xf32>,
    %get3A_70 = arith.constant 16 : index
    %get3A_71 = tpu.vector_load %arg13[%get3A_70] {strides = array<i32>} : memref<256xf32, #tpu.memory_space<vmem>>, vector<16xf32>,
    %get3A_72 = vector.shape_cast %get3A_71 : vector<16xf32> to vector<16xf32>
    %get3A_73 = arith.constant 16 : index
    %get3A_74 = tpu.vector_load %arg14[%get3A_73] {strides = array<i32>} : memref<256xf32, #tpu.memory_space<vmem>>, vector<16xf32>,
    %get3A_75 = vector.shape_cast %get3A_74 : vector<16xf32> to vector<16xf32>
    %add3A_76 = arith.addf %get3A_72, %get3A_75 : vector<16xf32>
    %add3A_77 = arith.addf %add3A_76, %get3A_58 : vector<16xf32>
    %swap3A_78 = arith.constant 16 : index
    %swap3A_79 = tpu.vector_load %arg13[%swap3A_78] {strides = array<i32>} : memref<256xf32, #tpu.memory_space<vmem>>, vector<16xf32>,
    %swap3A_80 = vector.shape_cast %swap3A_79 : vector<16xf32> to vector<16xf32>
    %swap3A_81 = vector.shape_cast %add3A_77 : vector<16xf32> to vector<16xf32>
    tpu.vector_store %arg13[%swap3A_78], %swap3A_81 {strides = array<i32>} : memref<256xf32, #tpu.memory_space<vmem>>, vector<16xf32>,
    %get3A_82 = arith.constant 32 : index
    %get3A_83 = tpu.vector_load %arg13[%get3A_82] {strides = array<i32>} : memref<256xf32, #tpu.memory_space<vmem>>, vector<16xf32>,
    %get3A_84 = vector.shape_cast %get3A_83 : vector<16xf32> to vector<16xf32>
    %get3A_85 = arith.constant 32 : index
    %get3A_86 = tpu.vector_load %arg14[%get3A_85] {strides = array<i32>} : memref<256xf32, #tpu.memory_space<vmem>>, vector<16xf32>,
    %get3A_87 = vector.shape_cast %get3A_86 : vector<16xf32> to vector<16xf32>
    %add3A_88 = arith.addf %get3A_84, %get3A_87 : vector<16xf32>
    %add3A_89 = arith.addf %add3A_88, %get3A_58 : vector<16xf32>
    %swap3A_90 = arith.constant 32 : index
    %swap3A_91 = tpu.vector_load %arg13[%swap3A_90] {strides = array<i32>} : memref<256xf32, #tpu.memory_space<vmem>>, vector<16xf32>,
    %swap3A_92 = vector.shape_cast %swap3A_91 : vector<16xf32> to vector<16xf32>
    %swap3A_93 = vector.shape_cast %add3A_89 : vector<16xf32> to vector<16xf32>
    tpu.vector_store %arg13[%swap3A_90], %swap3A_93 {strides = array<i32>} : memref<256xf32, #tpu.memory_space<vmem>>, vector<16xf32>,
    %get3A_94 = arith.constant 48 : index
    %get3A_95 = tpu.vector_load %arg13[%get3A_94] {strides = array<i32>} : memref<256xf32, #tpu.memory_space<vmem>>, vector<16xf32>,
    %get3A_96 = vector.shape_cast %get3A_95 : vector<16xf32> to vector<16xf32>
    %get3A_97 = arith.constant 48 : index
    %get3A_98 = tpu.vector_load %arg14[%get3A_97] {strides = array<i32>} : memref<256xf32, #tpu.memory_space<vmem>>, vector<16xf32>,
    %get3A_99 = vector.shape_cast %get3A_98 : vector<16xf32> to vector<16xf32>
    %add3A_100 = arith.addf %get3A_96, %get3A_99 : vector<16xf32>
    %add3A_101 = arith.addf %add3A_100, %get3A_58 : vector<16xf32>
    %swap3A_102 = arith.constant 48 : index
    %swap3A_103 = tpu.vector_load %arg13[%swap3A_102] {strides = array<i32>} : memref<256xf32, #tpu.memory_space<vmem>>, vector<16xf32>,
    %swap3A_104 = vector.shape_cast %swap3A_103 : vector<16xf32> to vector<16xf32>
    %swap3A_105 = vector.shape_cast %add3A_101 : vector<16xf32> to vector<16xf32>
    tpu.vector_store %arg13[%swap3A_102], %swap3A_105 {strides = array<i32>} : memref<256xf32, #tpu.memory_space<vmem>>, vector<16xf32>,
    %get3A_106 = arith.constant 64 : index
    %get3A_107 = tpu.vector_load %arg13[%get3A_106] {strides = array<i32>} : memref<256xf32, #tpu.memory_space<vmem>>, vector<16xf32>,
    %get3A_108 = vector.shape_cast %get3A_107 : vector<16xf32> to vector<16xf32>
    %get3A_109 = arith.constant 64 : index
    %get3A_110 = tpu.vector_load %arg14[%get3A_109] {strides = array<i32>} : memref<256xf32, #tpu.memory_space<vmem>>, vector<16xf32>,
    %get3A_111 = vector.shape_cast %get3A_110 : vector<16xf32> to vector<16xf32>
    %add3A_112 = arith.addf %get3A_108, %get3A_111 : vector<16xf32>
    %add3A_113 = arith.addf %add3A_112, %get3A_58 : vector<16xf32>
    %swap3A_114 = arith.constant 64 : index
    %swap3A_115 = tpu.vector_load %arg13[%swap3A_114] {strides = array<i32>} : memref<256xf32, #tpu.memory_space<vmem>>, vector<16xf32>,
    %swap3A_116 = vector.shape_cast %swap3A_115 : vector<16xf32> to vector<16xf32>
    %swap3A_117 = vector.shape_cast %add3A_113 : vector<16xf32> to vector<16xf32>
    tpu.vector_store %arg13[%swap3A_114], %swap3A_117 {strides = array<i32>} : memref<256xf32, #tpu.memory_space<vmem>>, vector<16xf32>,
    %get3A_118 = arith.constant 80 : index
    %get3A_119 = tpu.vector_load %arg13[%get3A_118] {strides = array<i32>} : memref<256xf32, #tpu.memory_space<vmem>>, vector<16xf32>,
    %get3A_120 = vector.shape_cast %get3A_119 : vector<16xf32> to vector<16xf32>
    %get3A_121 = arith.constant 80 : index
    %get3A_122 = tpu.vector_load %arg14[%get3A_121] {strides = array<i32>} : memref<256xf32, #tpu.memory_space<vmem>>, vector<16xf32>,
    %get3A_123 = vector.shape_cast %get3A_122 : vector<16xf32> to vector<16xf32>
    %add3A_124 = arith.addf %get3A_120, %get3A_123 : vector<16xf32>
    %add3A_125 = arith.addf %add3A_124, %get3A_58 : vector<16xf32>
    %swap3A_126 = arith.constant 80 : index
    %swap3A_127 = tpu.vector_load %arg13[%swap3A_126] {strides = array<i32>} : memref<256xf32, #tpu.memory_space<vmem>>, vector<16xf32>,
    %swap3A_128 = vector.shape_cast %swap3A_127 : vector<16xf32> to vector<16xf32>
    %swap3A_129 = vector.shape_cast %add3A_125 : vector<16xf32> to vector<16xf32>
    tpu.vector_store %arg13[%swap3A_126], %swap3A_129 {strides = array<i32>} : memref<256xf32, #tpu.memory_space<vmem>>, vector<16xf32>,
    %get3A_130 = arith.constant 96 : index
    %get3A_131 = tpu.vector_load %arg13[%get3A_130] {strides = array<i32>} : memref<256xf32, #tpu.memory_space<vmem>>, vector<16xf32>,
    %get3A_132 = vector.shape_cast %get3A_131 : vector<16xf32> to vector<16xf32>
    %get3A_133 = arith.constant 96 : index
    %get3A_134 = tpu.vector_load %arg14[%get3A_133] {strides = array<i32>} : memref<256xf32, #tpu.memory_space<vmem>>, vector<16xf32>,
    %get3A_135 = vector.shape_cast %get3A_134 : vector<16xf32> to vector<16xf32>
    %add3A_136 = arith.addf %get3A_132, %get3A_135 : vector<16xf32>
    %add3A_137 = arith.addf %add3A_136, %get3A_58 : vector<16xf32>
    %swap3A_138 = arith.constant 96 : index
    %swap3A_139 = tpu.vector_load %arg13[%swap3A_138] {strides = array<i32>} : memref<256xf32, #tpu.memory_space<vmem>>, vector<16xf32>,
    %swap3A_140 = vector.shape_cast %swap3A_139 : vector<16xf32> to vector<16xf32>
    %swap3A_141 = vector.shape_cast %add3A_137 : vector<16xf32> to vector<16xf32>
    tpu.vector_store %arg13[%swap3A_138], %swap3A_141 {strides = array<i32>} : memref<256xf32, #tpu.memory_space<vmem>>, vector<16xf32>,
    %get3A_142 = arith.constant 112 : index
    %get3A_143 = tpu.vector_load %arg13[%get3A_142] {strides = array<i32>} : memref<256xf32, #tpu.memory_space<vmem>>, vector<16xf32>,
    %get3A_144 = vector.shape_cast %get3A_143 : vector<16xf32> to vector<16xf32>
    %get3A_145 = arith.constant 112 : index
    %get3A_146 = tpu.vector_load %arg14[%get3A_145] {strides = array<i32>} : memref<256xf32, #tpu.memory_space<vmem>>, vector<16xf32>,
    %get3A_147 = vector.shape_cast %get3A_146 : vector<16xf32> to vector<16xf32>
    %add3A_148 = arith.addf %get3A_144, %get3A_147 : vector<16xf32>
    %add3A_149 = arith.addf %add3A_148, %get3A_58 : vector<16xf32>
    %swap3A_150 = arith.constant 112 : index
    %swap3A_151 = tpu.vector_load %arg13[%swap3A_150] {strides = array<i32>} : memref<256xf32, #tpu.memory_space<vmem>>, vector<16xf32>,
    %swap3A_152 = vector.shape_cast %swap3A_151 : vector<16xf32> to vector<16xf32>
    %swap3A_153 = vector.shape_cast %add3A_149 : vector<16xf32> to vector<16xf32>
    tpu.vector_store %arg13[%swap3A_150], %swap3A_153 {strides = array<i32>} : memref<256xf32, #tpu.memory_space<vmem>>, vector<16xf32>,
    %get3A_154 = arith.constant 128 : index
    %get3A_155 = tpu.vector_load %arg13[%get3A_154] {strides = array<i32>} : memref<256xf32, #tpu.memory_space<vmem>>, vector<16xf32>,
    %get3A_156 = vector.shape_cast %get3A_155 : vector<16xf32> to vector<16xf32>
    %get3A_157 = arith.constant 128 : index
    %get3A_158 = tpu.vector_load %arg14[%get3A_157] {strides = array<i32>} : memref<256xf32, #tpu.memory_space<vmem>>, vector<16xf32>,
    %get3A_159 = vector.shape_cast %get3A_158 : vector<16xf32> to vector<16xf32>
    %add3A_160 = arith.addf %get3A_156, %get3A_159 : vector<16xf32>
    %add3A_161 = arith.addf %add3A_160, %get3A_58 : vector<16xf32>
    %swap3A_162 = arith.constant 128 : index
    %swap3A_163 = tpu.vector_load %arg13[%swap3A_162] {strides = array<i32>} : memref<256xf32, #tpu.memory_space<vmem>>, vector<16xf32>,
    %swap3A_164 = vector.shape_cast %swap3A_163 : vector<16xf32> to vector<16xf32>
    %swap3A_165 = vector.shape_cast %add3A_161 : vector<16xf32> to vector<16xf32>
    tpu.vector_store %arg13[%swap3A_162], %swap3A_165 {strides = array<i32>} : memref<256xf32, #tpu.memory_space<vmem>>, vector<16xf32>,
    %get3A_166 = arith.constant 144 : index
    %get3A_167 = tpu.vector_load %arg13[%get3A_166] {strides = array<i32>} : memref<256xf32, #tpu.memory_space<vmem>>, vector<16xf32>,
    %get3A_168 = vector.shape_cast %get3A_167 : vector<16xf32> to vector<16xf32>
    %get3A_169 = arith.constant 144 : index
    %get3A_170 = tpu.vector_load %arg14[%get3A_169] {strides = array<i32>} : memref<256xf32, #tpu.memory_space<vmem>>, vector<16xf32>,
    %get3A_171 = vector.shape_cast %get3A_170 : vector<16xf32> to vector<16xf32>
    %add3A_172 = arith.addf %get3A_168, %get3A_171 : vector<16xf32>
    %add3A_173 = arith.addf %add3A_172, %get3A_58 : vector<16xf32>
    %swap3A_174 = arith.constant 144 : index
    %swap3A_175 = tpu.vector_load %arg13[%swap3A_174] {strides = array<i32>} : memref<256xf32, #tpu.memory_space<vmem>>, vector<16xf32>,
    %swap3A_176 = vector.shape_cast %swap3A_175 : vector<16xf32> to vector<16xf32>
    %swap3A_177 = vector.shape_cast %add3A_173 : vector<16xf32> to vector<16xf32>
    tpu.vector_store %arg13[%swap3A_174], %swap3A_177 {strides = array<i32>} : memref<256xf32, #tpu.memory_space<vmem>>, vector<16xf32>,
    %get3A_178 = arith.constant 160 : index
    %get3A_179 = tpu.vector_load %arg13[%get3A_178] {strides = array<i32>} : memref<256xf32, #tpu.memory_space<vmem>>, vector<16xf32>,
    %get3A_180 = vector.shape_cast %get3A_179 : vector<16xf32> to vector<16xf32>
    %get3A_181 = arith.constant 160 : index
    %get3A_182 = tpu.vector_load %arg14[%get3A_181] {strides = array<i32>} : memref<256xf32, #tpu.memory_space<vmem>>, vector<16xf32>,
    %get3A_183 = vector.shape_cast %get3A_182 : vector<16xf32> to vector<16xf32>
    %add3A_184 = arith.addf %get3A_180, %get3A_183 : vector<16xf32>
    %add3A_185 = arith.addf %add3A_184, %get3A_58 : vector<16xf32>
    %swap3A_186 = arith.constant 160 : index
    %swap3A_187 = tpu.vector_load %arg13[%swap3A_186] {strides = array<i32>} : memref<256xf32, #tpu.memory_space<vmem>>, vector<16xf32>,
    %swap3A_188 = vector.shape_cast %swap3A_187 : vector<16xf32> to vector<16xf32>
    %swap3A_189 = vector.shape_cast %add3A_185 : vector<16xf32> to vector<16xf32>
    tpu.vector_store %arg13[%swap3A_186], %swap3A_189 {strides = array<i32>} : memref<256xf32, #tpu.memory_space<vmem>>, vector<16xf32>,
    %get3A_190 = arith.constant 176 : index
    %get3A_191 = tpu.vector_load %arg13[%get3A_190] {strides = array<i32>} : memref<256xf32, #tpu.memory_space<vmem>>, vector<16xf32>,
    %get3A_192 = vector.shape_cast %get3A_191 : vector<16xf32> to vector<16xf32>
    %get3A_193 = arith.constant 176 : index
    %get3A_194 = tpu.vector_load %arg14[%get3A_193] {strides = array<i32>} : memref<256xf32, #tpu.memory_space<vmem>>, vector<16xf32>,
    %get3A_195 = vector.shape_cast %get3A_194 : vector<16xf32> to vector<16xf32>
    %add3A_196 = arith.addf %get3A_192, %get3A_195 : vector<16xf32>
    %add3A_197 = arith.addf %add3A_196, %get3A_58 : vector<16xf32>
    %swap3A_198 = arith.constant 176 : index
    %swap3A_199 = tpu.vector_load %arg13[%swap3A_198] {strides = array<i32>} : memref<256xf32, #tpu.memory_space<vmem>>, vector<16xf32>,
    %swap3A_200 = vector.shape_cast %swap3A_199 : vector<16xf32> to vector<16xf32>
    %swap3A_201 = vector.shape_cast %add3A_197 : vector<16xf32> to vector<16xf32>
    tpu.vector_store %arg13[%swap3A_198], %swap3A_201 {strides = array<i32>} : memref<256xf32, #tpu.memory_space<vmem>>, vector<16xf32>,
    %get3A_202 = arith.constant 192 : index
    %get3A_203 = tpu.vector_load %arg13[%get3A_202] {strides = array<i32>} : memref<256xf32, #tpu.memory_space<vmem>>, vector<16xf32>,
    %get3A_204 = vector.shape_cast %get3A_203 : vector<16xf32> to vector<16xf32>
    %get3A_205 = arith.constant 192 : index
    %get3A_206 = tpu.vector_load %arg14[%get3A_205] {strides = array<i32>} : memref<256xf32, #tpu.memory_space<vmem>>, vector<16xf32>,
    %get3A_207 = vector.shape_cast %get3A_206 : vector<16xf32> to vector<16xf32>
    %add3A_208 = arith.addf %get3A_204, %get3A_207 : vector<16xf32>
    %add3A_209 = arith.addf %add3A_208, %get3A_58 : vector<16xf32>
    %swap3A_210 = arith.constant 192 : index
    %swap3A_211 = tpu.vector_load %arg13[%swap3A_210] {strides = array<i32>} : memref<256xf32, #tpu.memory_space<vmem>>, vector<16xf32>,
    %swap3A_212 = vector.shape_cast %swap3A_211 : vector<16xf32> to vector<16xf32>
    %swap3A_213 = vector.shape_cast %add3A_209 : vector<16xf32> to vector<16xf32>
    tpu.vector_store %arg13[%swap3A_210], %swap3A_213 {strides = array<i32>} : memref<256xf32, #tpu.memory_space<vmem>>, vector<16xf32>,
    %get3A_214 = arith.constant 208 : index
    %get3A_215 = tpu.vector_load %arg13[%get3A_214] {strides = array<i32>} : memref<256xf32, #tpu.memory_space<vmem>>, vector<16xf32>,
    %get3A_216 = vector.shape_cast %get3A_215 : vector<16xf32> to vector<16xf32>
    %get3A_217 = arith.constant 208 : index
    %get3A_218 = tpu.vector_load %arg14[%get3A_217] {strides = array<i32>} : memref<256xf32, #tpu.memory_space<vmem>>, vector<16xf32>,
    %get3A_219 = vector.shape_cast %get3A_218 : vector<16xf32> to vector<16xf32>
    %add3A_220 = arith.addf %get3A_216, %get3A_219 : vector<16xf32>
    %add3A_221 = arith.addf %add3A_220, %get3A_58 : vector<16xf32>
    %swap3A_222 = arith.constant 208 : index
    %swap3A_223 = tpu.vector_load %arg13[%swap3A_222] {strides = array<i32>} : memref<256xf32, #tpu.memory_space<vmem>>, vector<16xf32>,
    %swap3A_224 = vector.shape_cast %swap3A_223 : vector<16xf32> to vector<16xf32>
    %swap3A_225 = vector.shape_cast %add3A_221 : vector<16xf32> to vector<16xf32>
    tpu.vector_store %arg13[%swap3A_222], %swap3A_225 {strides = array<i32>} : memref<256xf32, #tpu.memory_space<vmem>>, vector<16xf32>,
    %get3A_226 = arith.constant 224 : index
    %get3A_227 = tpu.vector_load %arg13[%get3A_226] {strides = array<i32>} : memref<256xf32, #tpu.memory_space<vmem>>, vector<16xf32>,
    %get3A_228 = vector.shape_cast %get3A_227 : vector<16xf32> to vector<16xf32>
    %get3A_229 = arith.constant 224 : index
    %get3A_230 = tpu.vector_load %arg14[%get3A_229] {strides = array<i32>} : memref<256xf32, #tpu.memory_space<vmem>>, vector<16xf32>,
    %get3A_231 = vector.shape_cast %get3A_230 : vector<16xf32> to vector<16xf32>
    %add3A_232 = arith.addf %get3A_228, %get3A_231 : vector<16xf32>
    %add3A_233 = arith.addf %add3A_232, %get3A_58 : vector<16xf32>
    %swap3A_234 = arith.constant 224 : index
    %swap3A_235 = tpu.vector_load %arg13[%swap3A_234] {strides = array<i32>} : memref<256xf32, #tpu.memory_space<vmem>>, vector<16xf32>,
    %swap3A_236 = vector.shape_cast %swap3A_235 : vector<16xf32> to vector<16xf32>
    %swap3A_237 = vector.shape_cast %add3A_233 : vector<16xf32> to vector<16xf32>
    tpu.vector_store %arg13[%swap3A_234], %swap3A_237 {strides = array<i32>} : memref<256xf32, #tpu.memory_space<vmem>>, vector<16xf32>,
    %get3A_238 = arith.constant 240 : index
    %get3A_239 = tpu.vector_load %arg13[%get3A_238] {strides = array<i32>} : memref<256xf32, #tpu.memory_space<vmem>>, vector<16xf32>,
    %get3A_240 = vector.shape_cast %get3A_239 : vector<16xf32> to vector<16xf32>
    %get3A_241 = arith.constant 240 : index
    %get3A_242 = tpu.vector_load %arg14[%get3A_241] {strides = array<i32>} : memref<256xf32, #tpu.memory_space<vmem>>, vector<16xf32>,
    %get3A_243 = vector.shape_cast %get3A_242 : vector<16xf32> to vector<16xf32>
    %add3A_244 = arith.addf %get3A_240, %get3A_243 : vector<16xf32>
    %add3A_245 = arith.addf %add3A_244, %get3A_58 : vector<16xf32>
    %swap3A_246 = arith.constant 240 : index
    %swap3A_247 = tpu.vector_load %arg13[%swap3A_246] {strides = array<i32>} : memref<256xf32, #tpu.memory_space<vmem>>, vector<16xf32>,
    %swap3A_248 = vector.shape_cast %swap3A_247 : vector<16xf32> to vector<16xf32>
    %swap3A_249 = vector.shape_cast %add3A_245 : vector<16xf32> to vector<16xf32>
    tpu.vector_store %arg13[%swap3A_246], %swap3A_249 {strides = array<i32>} : memref<256xf32, #tpu.memory_space<vmem>>, vector<16xf32>,
    "tpu.region"() ({
      %run_scoped3A = tpu.sem_alloc : memref<!tpu.dma_semaphore, #tpu.memory_space<semaphore_mem>>
      %dma_start3A_250 = tpu.memref_slice %arg10[%mul3A_2] : memref<8192xf32, #tpu.memory_space<hbm>> -> memref<256xf32, #tpu.memory_space<hbm>>
      %dma_start3A_251 = tpu.memref_slice %arg10[%mul3A_2] : memref<8192xf32, #tpu.memory_space<hbm>> -> memref<256xf32, #tpu.memory_space<hbm>>
      tpu.enqueue_dma source(%arg13 : memref<256xf32, #tpu.memory_space<vmem>>) target(%dma_start3A_251 : memref<256xf32, #tpu.memory_space<hbm>>) target_semaphore(%run_scoped3A : memref<!tpu.dma_semaphore, #tpu.memory_space<semaphore_mem>>)
      %dma_wait3A_252 = tpu.memref_slice %arg10[%mul3A_2] : memref<8192xf32, #tpu.memory_space<hbm>> -> memref<256xf32, #tpu.memory_space<hbm>>
      %dma_wait3A_253 = tpu.memref_slice %arg10[%mul3A_2] : memref<8192xf32, #tpu.memory_space<hbm>> -> memref<256xf32, #tpu.memory_space<hbm>>
      tpu.wait_dma2 semaphore(%run_scoped3A : memref<!tpu.dma_semaphore, #tpu.memory_space<semaphore_mem>>) src(%arg13 : memref<256xf32, #tpu.memory_space<vmem>>) dst(%dma_wait3A_253 : memref<256xf32, #tpu.memory_space<hbm>>)
      tpu.yield
    }) : () -> ()
    return
  }
}

module attributes {stable_mosaic.version = 14 : i64} {
  func.func @_tc_body(%arg0: i32, %arg1: memref<4096x128xf32, #tpu.memory_space<vmem>>, %arg2: memref<4096x128xf32, #tpu.memory_space<vmem>>, %arg3: memref<125x4096xf32, #tpu.memory_space<vmem>>, %arg4: memref<36x4096xf32, #tpu.memory_space<vmem>>, %arg5: memref<4096xf32, #tpu.memory_space<vmem>>, %arg6: memref<128x256xf32, #tpu.memory_space<vmem>>, %arg7: memref<128x256xf32, #tpu.memory_space<vmem>>, %arg8: memref<125x256xf32, #tpu.memory_space<vmem>>, %arg9: memref<1x256xf32, #tpu.memory_space<vmem>>, %arg10: memref<256x128xf32, #tpu.memory_space<vmem>>, %arg11: memref<1x128xf32, #tpu.memory_space<vmem>>, %arg12: memref<128x1xf32, #tpu.memory_space<vmem>>, %arg13: memref<36x1xf32, #tpu.memory_space<vmem>>, %arg14: memref<4096xf32, #tpu.memory_space<vmem>>) attributes {dimension_semantics = [#tpu.dimension_semantics<arbitrary>], iteration_bounds = array<i64: 2>, scalar_prefetch = 0 : i64, scratch_operands = 0 : i64, tpu.core_type = #tpu.core_type<tc>, window_params = [{transform_indices = @transform_0, window_bounds = array<i64: 4096, 128>}, {transform_indices = @transform_1, window_bounds = array<i64: 4096, 128>}, {transform_indices = @transform_2, window_bounds = array<i64: 125, 4096>}, {transform_indices = @transform_3, window_bounds = array<i64: 36, 4096>}, {transform_indices = @transform_4, window_bounds = array<i64: 4096>}, {pipeline_mode = #tpu.pipeline_mode<synchronous>, transform_indices = @transform_5, window_bounds = array<i64: 128, 256>}, {pipeline_mode = #tpu.pipeline_mode<synchronous>, transform_indices = @transform_6, window_bounds = array<i64: 128, 256>}, {pipeline_mode = #tpu.pipeline_mode<synchronous>, transform_indices = @transform_7, window_bounds = array<i64: 125, 256>}, {pipeline_mode = #tpu.pipeline_mode<synchronous>, transform_indices = @transform_8, window_bounds = array<i64: 1, 256>}, {pipeline_mode = #tpu.pipeline_mode<synchronous>, transform_indices = @transform_9, window_bounds = array<i64: 256, 128>}, {pipeline_mode = #tpu.pipeline_mode<synchronous>, transform_indices = @transform_10, window_bounds = array<i64: 1, 128>}, {pipeline_mode = #tpu.pipeline_mode<synchronous>, transform_indices = @transform_11, window_bounds = array<i64: 128, 1>}, {pipeline_mode = #tpu.pipeline_mode<synchronous>, transform_indices = @transform_12, window_bounds = array<i64: 36, 1>}, {transform_indices = @transform_13, window_bounds = array<i64: 4096>}]} {
    %get3A = arith.constant 0 : index
    %get3A_0 = arith.constant 0 : index
    %get3A_1 = vector.load %arg1[%get3A, %get3A_0] : memref<4096x128xf32, #tpu.memory_space<vmem>>, vector<4096x128xf32>
    %get3A_2 = arith.constant 0 : index
    %get3A_3 = arith.constant 0 : index
    %get3A_4 = vector.load %arg6[%get3A_2, %get3A_3] : memref<128x256xf32, #tpu.memory_space<vmem>>, vector<128x256xf32>
    %dot_general3A = arith.constant dense<0.000000e+00> : vector<4096x256xf32>
    %dot_general3A_5 = tpu.matmul %get3A_1, %get3A_4, %dot_general3A {dimension_numbers = #tpu.dot_dimension_numbers<[1], [0], [0], [1], [0, 0, 1, 1], [], []>, transpose_lhs_hint = false} : vector<4096x128xf32>, vector<128x256xf32>, vector<4096x256xf32> -> vector<4096x256xf32>
    %get3A_6 = arith.constant 0 : index
    %get3A_7 = arith.constant 0 : index
    %get3A_8 = vector.load %arg2[%get3A_6, %get3A_7] : memref<4096x128xf32, #tpu.memory_space<vmem>>, vector<4096x128xf32>
    %get3A_9 = arith.constant 0 : index
    %get3A_10 = arith.constant 0 : index
    %get3A_11 = vector.load %arg7[%get3A_9, %get3A_10] : memref<128x256xf32, #tpu.memory_space<vmem>>, vector<128x256xf32>
    %dot_general3A_12 = arith.constant dense<0.000000e+00> : vector<4096x256xf32>
    %dot_general3A_13 = tpu.matmul %get3A_8, %get3A_11, %dot_general3A_12 {dimension_numbers = #tpu.dot_dimension_numbers<[1], [0], [0], [1], [0, 0, 1, 1], [], []>, transpose_lhs_hint = false} : vector<4096x128xf32>, vector<128x256xf32>, vector<4096x256xf32> -> vector<4096x256xf32>
    %add3A = arith.addf %dot_general3A_5, %dot_general3A_13 : vector<4096x256xf32>
    %get3A_14 = arith.constant 0 : index
    %get3A_15 = arith.constant 0 : index
    %get3A_16 = vector.load %arg3[%get3A_14, %get3A_15] : memref<125x4096xf32, #tpu.memory_space<vmem>>, vector<125x4096xf32>
    %get3A_17 = arith.constant 0 : index
    %get3A_18 = arith.constant 0 : index
    %get3A_19 = vector.load %arg8[%get3A_17, %get3A_18] : memref<125x256xf32, #tpu.memory_space<vmem>>, vector<125x256xf32>
    %dot_general3A_20 = arith.constant dense<0.000000e+00> : vector<4096x256xf32>
    %dot_general3A_21 = tpu.matmul %get3A_16, %get3A_19, %dot_general3A_20 {dimension_numbers = #tpu.dot_dimension_numbers<[0], [0], [1], [1], [0, 1, 1, 1], [], []>, transpose_lhs_hint = false} : vector<125x4096xf32>, vector<125x256xf32>, vector<4096x256xf32> -> vector<4096x256xf32>
    %add3A_22 = arith.addf %add3A, %dot_general3A_21 : vector<4096x256xf32>
    %get3A_23 = arith.constant 0 : index
    %get3A_24 = arith.constant 0 : index
    %get3A_25 = vector.load %arg9[%get3A_23, %get3A_24] : memref<1x256xf32, #tpu.memory_space<vmem>>, vector<1x256xf32>
    %add3A_26 = vector.broadcast %get3A_25 : vector<1x256xf32> to vector<4096x256xf32>
    %add3A_27 = arith.addf %add3A_22, %add3A_26 : vector<4096x256xf32>
    %max3A = arith.constant 0.000000e+00 : f32
    %max3A_28 = vector.broadcast %max3A : f32 to vector<4096x256xf32>
    %max3A_29 = arith.maximumf %add3A_27, %max3A_28 : vector<4096x256xf32>
    %get3A_30 = arith.constant 0 : index
    %get3A_31 = arith.constant 0 : index
    %get3A_32 = vector.load %arg10[%get3A_30, %get3A_31] : memref<256x128xf32, #tpu.memory_space<vmem>>, vector<256x128xf32>
    %dot_general3A_33 = arith.constant dense<0.000000e+00> : vector<4096x128xf32>
    %dot_general3A_34 = tpu.matmul %max3A_29, %get3A_32, %dot_general3A_33 {dimension_numbers = #tpu.dot_dimension_numbers<[1], [0], [0], [1], [0, 0, 1, 1], [], []>, transpose_lhs_hint = false} : vector<4096x256xf32>, vector<256x128xf32>, vector<4096x128xf32> -> vector<4096x128xf32>
    %get3A_35 = arith.constant 0 : index
    %get3A_36 = arith.constant 0 : index
    %get3A_37 = vector.load %arg11[%get3A_35, %get3A_36] : memref<1x128xf32, #tpu.memory_space<vmem>>, vector<1x128xf32>
    %add3A_38 = vector.broadcast %get3A_37 : vector<1x128xf32> to vector<4096x128xf32>
    %add3A_39 = arith.addf %dot_general3A_34, %add3A_38 : vector<4096x128xf32>
    %max3A_40 = arith.constant 0.000000e+00 : f32
    %max3A_41 = vector.broadcast %max3A_40 : f32 to vector<4096x128xf32>
    %max3A_42 = arith.maximumf %add3A_39, %max3A_41 : vector<4096x128xf32>
    %get3A_43 = arith.constant 0 : index
    %get3A_44 = arith.constant 0 : index
    %get3A_45 = vector.load %arg12[%get3A_43, %get3A_44] : memref<128x1xf32, #tpu.memory_space<vmem>>, vector<128x1xf32>
    %dot_general3A_46 = arith.constant dense<0.000000e+00> : vector<4096x1xf32>
    %dot_general3A_47 = tpu.matmul %max3A_42, %get3A_45, %dot_general3A_46 {dimension_numbers = #tpu.dot_dimension_numbers<[1], [0], [0], [1], [0, 0, 1, 1], [], []>, transpose_lhs_hint = false} : vector<4096x128xf32>, vector<128x1xf32>, vector<4096x1xf32> -> vector<4096x1xf32>
    %get3A_48 = arith.constant 0 : index
    %get3A_49 = arith.constant 0 : index
    %get3A_50 = vector.load %arg4[%get3A_48, %get3A_49] : memref<36x4096xf32, #tpu.memory_space<vmem>>, vector<36x4096xf32>
    %get3A_51 = arith.constant 0 : index
    %get3A_52 = arith.constant 0 : index
    %get3A_53 = vector.load %arg13[%get3A_51, %get3A_52] : memref<36x1xf32, #tpu.memory_space<vmem>>, vector<36x1xf32>
    %dot_general3A_54 = arith.constant dense<0.000000e+00> : vector<4096x1xf32>
    %dot_general3A_55 = tpu.matmul %get3A_50, %get3A_53, %dot_general3A_54 {dimension_numbers = #tpu.dot_dimension_numbers<[0], [0], [1], [1], [0, 1, 1, 1], [], []>, transpose_lhs_hint = false} : vector<36x4096xf32>, vector<36x1xf32>, vector<4096x1xf32> -> vector<4096x1xf32>
    %get3A_56 = arith.constant 0 : index
    %get3A_57 = vector.load %arg5[%get3A_56] : memref<4096xf32, #tpu.memory_space<vmem>>, vector<4096xf32>
    %squeeze3A = vector.shape_cast %dot_general3A_47 : vector<4096x1xf32> to vector<4096xf32>
    %add3A_58 = arith.addf %get3A_57, %squeeze3A : vector<4096xf32>
    %squeeze3A_59 = vector.shape_cast %dot_general3A_55 : vector<4096x1xf32> to vector<4096xf32>
    %add3A_60 = arith.addf %add3A_58, %squeeze3A_59 : vector<4096xf32>
    %swap3A = arith.constant 0 : index
    %swap3A_61 = vector.load %arg14[%swap3A] : memref<4096xf32, #tpu.memory_space<vmem>>, vector<4096xf32>
    tpu.vector_store %arg14[%swap3A], %add3A_60 {strides = array<i32>} : memref<4096xf32, #tpu.memory_space<vmem>>, vector<4096xf32>,
    return
  }
  func.func @transform_0(%arg0: i32) -> (i32, i32) {
    %c0_i32 = arith.constant 0 : i32
    %c0_i32_0 = arith.constant 0 : i32
    return %arg0, %c0_i32 : i32, i32
  }
  func.func @transform_1(%arg0: i32) -> (i32, i32) {
    %c0_i32 = arith.constant 0 : i32
    %c0_i32_0 = arith.constant 0 : i32
    return %arg0, %c0_i32 : i32, i32
  }
  func.func @transform_2(%arg0: i32) -> (i32, i32) {
    %c0_i32 = arith.constant 0 : i32
    %c0_i32_0 = arith.constant 0 : i32
    return %c0_i32, %arg0 : i32, i32
  }
  func.func @transform_3(%arg0: i32) -> (i32, i32) {
    %c0_i32 = arith.constant 0 : i32
    %c0_i32_0 = arith.constant 0 : i32
    return %c0_i32, %arg0 : i32, i32
  }
  func.func @transform_4(%arg0: i32) -> i32 {
    %c0_i32 = arith.constant 0 : i32
    return %arg0 : i32
  }
  func.func @transform_5(%arg0: i32) -> (i32, i32) {
    %c0_i32 = arith.constant 0 : i32
    %c0_i32_0 = arith.constant 0 : i32
    %c0_i32_1 = arith.constant 0 : i32
    return %c0_i32, %c0_i32_0 : i32, i32
  }
  func.func @transform_6(%arg0: i32) -> (i32, i32) {
    %c0_i32 = arith.constant 0 : i32
    %c0_i32_0 = arith.constant 0 : i32
    %c0_i32_1 = arith.constant 0 : i32
    return %c0_i32, %c0_i32_0 : i32, i32
  }
  func.func @transform_7(%arg0: i32) -> (i32, i32) {
    %c0_i32 = arith.constant 0 : i32
    %c0_i32_0 = arith.constant 0 : i32
    %c0_i32_1 = arith.constant 0 : i32
    return %c0_i32, %c0_i32_0 : i32, i32
  }
  func.func @transform_8(%arg0: i32) -> (i32, i32) {
    %c0_i32 = arith.constant 0 : i32
    %c0_i32_0 = arith.constant 0 : i32
    %c0_i32_1 = arith.constant 0 : i32
    return %c0_i32, %c0_i32_0 : i32, i32
  }
  func.func @transform_9(%arg0: i32) -> (i32, i32) {
    %c0_i32 = arith.constant 0 : i32
    %c0_i32_0 = arith.constant 0 : i32
    %c0_i32_1 = arith.constant 0 : i32
    return %c0_i32, %c0_i32_0 : i32, i32
  }
  func.func @transform_10(%arg0: i32) -> (i32, i32) {
    %c0_i32 = arith.constant 0 : i32
    %c0_i32_0 = arith.constant 0 : i32
    %c0_i32_1 = arith.constant 0 : i32
    return %c0_i32, %c0_i32_0 : i32, i32
  }
  func.func @transform_11(%arg0: i32) -> (i32, i32) {
    %c0_i32 = arith.constant 0 : i32
    %c0_i32_0 = arith.constant 0 : i32
    %c0_i32_1 = arith.constant 0 : i32
    return %c0_i32, %c0_i32_0 : i32, i32
  }
  func.func @transform_12(%arg0: i32) -> (i32, i32) {
    %c0_i32 = arith.constant 0 : i32
    %c0_i32_0 = arith.constant 0 : i32
    %c0_i32_1 = arith.constant 0 : i32
    return %c0_i32, %c0_i32_0 : i32, i32
  }
  func.func @transform_13(%arg0: i32) -> i32 {
    %c0_i32 = arith.constant 0 : i32
    return %arg0 : i32
  }
}

</mosaic_0001>

<sc_bundles>
// kernel: kernel.6.cloned.1.call-start
scs
__scs_entry_jumppad:
0x0: {  	(pc) =	sbr.rel $0x88, $3  }
0x1: {  	(tag) =	ssettag $0x0;
	lr =	simm.s32 $0x1  }
0x2: {  	[smem:$0x3F8B] =	sst lr;
	_ =	strace $0xD0000000  }
0x3: {  	_ = 	snop  }
0x4: {  	_ = 	snop  }
0x5: {  	_ = 	snop  }
0x6: {  	_ = 	snop  }
0x7: {  	_ = 	snop  }
__scs_overlays_trampoline_lowered:
0x8: {  	[smem:$0x3F9A] =	sst s0  }
0x9: {  	[smem:$0x3F9B] =	sst s1  }
0xa: {  	[smem:$0x3F9C] =	sst s2  }
0xb: {  	[smem:$0x3F9D] =	sst s3  }
0xc: {  	[smem:$0x3F9E] =	sst s4  }
0xd: {  	[smem:$0x3F9F] =	sst s5  }
0xe: {  	[smem:$0x3FA0] =	sst s6  }
0xf: {  	[smem:$0x3FA1] =	sst s7  }
0x10: {  	[smem:$0x3FA2] =	sst s8  }
0x11: {  	[smem:$0x3FA3] =	sst s9;
	s0 =	simm.s32 @!p0 $0x0  }
0x12: {  	s1 =	sld [smem:$0x3F89];
	s0 =	simm.s32 @p0 $0x1  }
0x13: {  	[smem:$0x3FA4] =	sst s0;
	s0 =	simm.s32 @!p1 $0x0  }
0x14: {  	s2 =	sld [smem:$0x3F88];
	s0 =	simm.s32 @p1 $0x1  }
0x15: {  	[smem:$0x3FA5] =	sst s0;
	s0 =	simm.s32 @!p2 $0x0  }
0x16: {  	s3 =	sld [smem:$0x3FDB];
	s0 =	simm.s32 @p2 $0x1  }
0x17: {  	s4 =	simm.s32 $0x1BF5;
	[smem:$0x3FA7] =	sst s0  }
0x18: {  	s0 =	sld [smem:$0x3F8A];
	_ =	swait.ge [sflag:s4], $0x0  }
0x19: {  	s7 =	sld [smem:$0x3F8B]  }
0x1a: {  	s8 =	sadd.s32 $0xFFFFE003, lr  }
0x1b: {  	s9 =	sadd.s32 $0xFFFFFEF7, lr;
	s5 =	simm.s32 $0xFFFFFFFF;
	p2 =	slt.u32 s8, $0xFFFFF086  }
0x1c: {  	p1 =	slt.u32 s9, $0xF7A;
	s5 =	simm.s32 @!p2 $0x0  }
0x1d: {  	s5 =	simm.s32 @p1 $0x1;
	p0 =	seq.s32 s7, s2  }
0x1e: {  	s7 =	smul.u32 @!p0 $0xF7A, s2;
	p2 =	seq.s32 @!p0 s5, $0x0  }
0x1f: {  	s9 =	smul.u32 $0xF7A, s1;
	s8 =	simm.s32 @!p0 $0x1BF5;
	p2 =	por !p2, p0  }
0x20: {  	[sflag:s8] =	ssyncset.s32 @!p0 $0xFFFFF086;
	s6 =	sadd.s32 @!p0 s3, s7;
	s7 =	simm.s32 @!p0 $0x108  }
0x21: {  	s3 =	sadd.s32 s3, s9;
	s6 =	sadd.s32 @!p0 $0x88, s6;
	s7 =	simm.s32 @p2 $0x1082  }
0x22: {  	[simem:s7], [sflag:s8] =	dma.local @!p0 [hbm:s6], $0xF7A  }
0x23: {  	s9 =	sor.u32 $0xD0000000, s2;
	s6 =	simm.s32 $0x108;
	_ =	swait.ge @!p0 [sflag:s8], $0x0  }
0x24: {  	s3 =	sadd.s32 $0x88, s3;
	s6 =	simm.s32 @!p1 $0x1082;
	[sflag:s4] =	ssyncset.s32 $0xFFFFF086  }
0x25: {  	[simem:s6], [sflag:s4] =	dma.local [hbm:s3], $0xF7A  }
0x26: {  	[smem:$0x3F8B] =	sst s1;
	(tag) =	ssettag s2;
	_ =	strace s9  }
0x27: {  	s1 =	sld [smem:$0x3F9B]  }
0x28: {  	s2 =	sld [smem:$0x3F9C]  }
0x29: {  	s4 =	sld [smem:$0x3F9E]  }
0x2a: {  	p0 =	seq.s32 s5, $0x0;
	s5 =	sld [smem:$0x3F9F]  }
0x2b: {  	s6 =	sld [smem:$0x3FA0]  }
0x2c: {  	s7 =	sld [smem:$0x3FA1]  }
0x2d: {  	s3 =	simm.s32 $0x108;
	s8 =	sld [smem:$0x3FA2]  }
0x2e: {  	s3 =	simm.s32 @!p0 $0x1082;
	s9 =	sld [smem:$0x3FA3]  }
0x2f: {  	lr =	sadd.s32 s0, s3;
	s0 =	sld [smem:$0x3F9A]  }
0x30: {  	s3 =	sld [smem:$0x3F9D]  }
0x31: {  	[smem:$0x3FA6] =	sst s10  }
0x32: {  	s10 =	sld [smem:$0x3FA4];
	_ =	sdelay $0x3  }
0x33: {  	p0 =	seq.s32 s10, $0x1;
	s10 =	sld [smem:$0x3FA6];
	_ =	sdelay $0x3  }
0x34: {  	[smem:$0x3FA6] =	sst s10  }
0x35: {  	s10 =	sld [smem:$0x3FA5];
	_ =	sdelay $0x3  }
0x36: {  	p1 =	seq.s32 s10, $0x1;
	s10 =	sld [smem:$0x3FA6];
	_ =	sdelay $0x3  }
0x37: {  	[smem:$0x3FA6] =	sst s10  }
0x38: {  	s10 =	sld [smem:$0x3FA7]  }
0x39: {  	_ = 	snop;
	(pc) =	sbr.ind lr, $3  }
0x3a: {  	_ = 	snop  }
0x3b: {  	_ = 	snop  }
0x3c: {  	p2 =	seq.s32 s10, $0x1;
	s10 =	sld [smem:$0x3FA6]  }
0x3d: {  	_ =	shalt  }
0x3e: {  	_ =	shalt  }
0x3f: {  	_ =	shalt  }
0x40: {  	_ =	shalt  }
0x41: {  	_ =	shalt  }
0x42: {  	_ =	shalt  }
0x43: {  	_ =	shalt  }
0x44: {  	_ =	shalt  }
0x45: {  	_ =	shalt  }
0x46: {  	_ =	shalt  }
0x47: {  	_ =	shalt  }
0x48: {  	_ =	shalt  }
0x49: {  	_ =	shalt  }
0x4a: {  	_ =	shalt  }
0x4b: {  	_ =	shalt  }
0x4c: {  	_ =	shalt  }
0x4d: {  	_ =	shalt  }
0x4e: {  	_ =	shalt  }
0x4f: {  	_ =	shalt  }
0x50: {  	_ =	shalt  }
0x51: {  	_ =	shalt  }
0x52: {  	_ =	shalt  }
0x53: {  	_ =	shalt  }
0x54: {  	_ =	shalt  }
0x55: {  	_ =	shalt  }
0x56: {  	_ =	shalt  }
0x57: {  	_ =	shalt  }
0x58: {  	_ =	shalt  }
0x59: {  	_ =	shalt  }
0x5a: {  	_ =	shalt  }
0x5b: {  	_ =	shalt  }
0x5c: {  	_ =	shalt  }
0x5d: {  	_ =	shalt  }
0x5e: {  	_ =	shalt  }
0x5f: {  	_ =	shalt  }
0x60: {  	_ =	shalt  }
0x61: {  	_ =	shalt  }
0x62: {  	_ =	shalt  }
0x63: {  	_ =	shalt  }
0x64: {  	_ =	shalt  }
0x65: {  	_ =	shalt  }
0x66: {  	_ =	shalt  }
0x67: {  	_ =	shalt  }
0x68: {  	_ =	shalt  }
0x69: {  	_ =	shalt  }
0x6a: {  	_ =	shalt  }
0x6b: {  	_ =	shalt  }
0x6c: {  	_ =	shalt  }
0x6d: {  	_ =	shalt  }
0x6e: {  	_ =	shalt  }
0x6f: {  	_ =	shalt  }
0x70: {  	_ =	shalt  }
0x71: {  	_ =	shalt  }
0x72: {  	_ =	shalt  }
0x73: {  	_ =	shalt  }
0x74: {  	_ =	shalt  }
0x75: {  	_ =	shalt  }
0x76: {  	_ =	shalt  }
0x77: {  	_ =	shalt  }
0x78: {  	_ =	shalt  }
0x79: {  	_ =	shalt  }
0x7a: {  	_ =	shalt  }
0x7b: {  	_ =	shalt  }
0x7c: {  	_ =	shalt  }
0x7d: {  	_ =	shalt  }
0x7e: {  	_ =	shalt  }
0x7f: {  	_ =	shalt  }
0x80: {  	_ =	shalt  }
0x81: {  	_ =	shalt  }
0x82: {  	_ =	shalt  }
0x83: {  	_ =	shalt  }
0x84: {  	_ =	shalt  }
0x85: {  	_ =	shalt  }
0x86: {  	_ =	shalt  }
0x87: {  	_ =	shalt  }
.Lfunc_end0:
.L_simem_size_0:
called_computation_lowered:
.L_overlay_start_0:
0x88: {  	s2 =	sld [smem:$0x3FD9]  }
0x89: {  	s3 =	sld [smem:$0x3FFE];
	_ =	sdelay $0x1  }
0x8a: {  	s1 =	srdreg.scid  }
0x8b: {  	s0 =	sand.u32 $0x1, s1  }
0x8c: {  	s17 =	sshll.u32 s0, $0xA;
	s2 =	sadd.s32 s3, s2  }
0x8d: {  	s2 =	sadd.s32 s2, s17  }
0x8e: {  	[smem:$0x3FB2] =	sst s2  }
0x8f: {  	_ = 	snop  }
0x90: {  	s2 =	sld [smem:$0x3FD0];
	(tm) =	ssettm $0x1  }
0x91: {  	s18 =	sld [smem:$0x3FFB];
	_ =	sdelay $0x3  }
0x92: {  	_ =	strace s18  }
0x93: {  	s3 =	sld [smem:$0x3FFC];
	_ =	sdelay $0x3  }
0x94: {  	_ =	strace s3  }
0x95: {  	s3 =	sld [smem:$0x3FFD];
	_ =	sdelay $0x3  }
0x96: {  	_ =	strace s3  }
0x97: {  	_ =	strace $0x8FFFFFFF  }
0x98: {  	s19 =	sld [smem:$0x3FDB];
	_ =	sdelay $0x1  }
0x99: {  	s4 =	simm.s32 $_scs_section_size  }
0x9a: {  	s5 =	simm.s32 $_size__tile_overlayer_lowered;
	s6 =	simm.s32 $_tile_overlayer_lowered  }
0x9b: {  	s22 =	simm.s32 $0x1BFF;
	s21 =	sshll.u32 s6, $0x1;
	s3 =	sadd.s32 s4, s19  }
0x9c: {  	s7 =	simm.s32 $0x0;
	s20 =	sshll.u32 s5, $0x1;
	s5 =	sadd.s32 s21, s3  }
0x9d: {  	[timem:s7], [sflag:s22] =	dma.local [hbm:s5], s20  }
0x9e: {  	_ =	swait.ge [sflag:s22], s20  }
0x9f: {  	s4 =	ssub.s32 $0x0, s20;
	[sflag:s22] =	ssyncset.done $0x0  }
0xa0: {  	[sflag:s22] =	ssyncadd.s32 s4;
	_ =	sdelay $0x1  }
0xa1: {  	s23 =	simm.s32 $0x1B8B  }
0xa2: {  	_ =	swait.ge [sflag:s23], $0x1  }
0xa3: {  	[sflag:s23] =	ssyncset.done $0x0  }
0xa4: {  	s25 =	simm.s32 $0x1B8E;
	s24 =	sld [smem:$0x3FFE];
	[sflag:s23] =	ssyncadd.s32 $0xFFFFFFFF  }
0xa5: {  	s26 =	simm.s32 $execute0_lowered;
	[smem:$0x3FD2] =	sst s25  }
0xa6: {  	s5 =	sshll.u32 s26, $0x1;
	_ =	strace $0x80000046;
	[dreg:$0x1] =	wrdreg $0xFFFFFFFF  }
0xa7: {  	s28 =	simm.s32 $_size_execute0_lowered;
	s3 =	sadd.s32 s3, s5;
	[dreg:$0x0] =	wrdreg $0x0  }
0xa8: {  	s5 =	sshll.u32 s28, $0x1;
	[dreg:$0x2] =	wrdreg s3  }
0xa9: {  	[dreg:$0x3] =	wrdreg s5  }
0xaa: {  	[dreg:$0x4] =	wrdreg $0xC0  }
0xab: {  	_ =	task [dreg:s7], $0x5FFFF  }
0xac: {  	[dreg:$0x1] =	wrdreg $0xFFFFFFFF  }
0xad: {  	[dreg:$0x0] =	wrdreg $0x60  }
0xae: {  	[dreg:$0x2] =	wrdreg s24  }
0xaf: {  	[dreg:$0x3] =	wrdreg s2  }
0xb0: {  	[dreg:$0x4] =	wrdreg $0x9  }
0xb1: {  	_ =	task.clear_ibuf [dreg:s7], $0x5FFFF;
	_ =	strace $0x90000046  }
0xb2: {  	s29 =	simm.s32 $0x9;
	_ =	strace $0x80000048  }
0xb3: {  	_ =	swait.ge [sflag:s29], $0x1  }
0xb4: {  	[sflag:s29] =	ssyncadd.s32 $0xFFFFFFFF  }
0xb5: {  	_ =	strace $0x90000048  }
0xb6: {  	_ =	sfence  }
0xb7: {  	s30 =	sld [smem:$0x0];
	_ =	sdelay $0x2  }
0xb8: {  	s31 =	sshll.u32 s1, $0xD;
	s1 =	sshrl.u32 s1, $0x2  }
0xb9: {  	s3 =	sand.u32 $0x4000, s31;
	s1 =	sadd.s32 s1, s30  }
0xba: {  	s0 =	sor.u32 s3, s0;
	s1 =	sshll.u32 s1, $0x11  }
0xbb: {  	s0 =	sor.u32 s1, s0  }
0xbc: {  	s0 =	sadd.s32 $0x8F2B, s0  }
0xbd: {  	[sflag:s0] =	ssyncadd.remote.s32 $0x1  }
0xbe: {  	_ =	sfence.sel $0xFFFF  }
0xbf: {  	[dreg:$0x0] =	wrdreg $0xFFFFFFFF;
	(pc) =	sbr.abs _section_cstart, $3  }
0xc0: {  	[dreg:$0x1] =	wrdreg $0xFFFFFFFF  }
0xc1: {  	_ =	task.clear_ibuf [dreg:s7], $0x2FFFF;
	_ =	strace $0x9FFFFFFF  }
0xc2: {  	(tm) =	ssettm $0x7FFFFFFF  }
0xc3: {  	_ =	shalt  }
tec
execute0_lowered:
.L_overlay_start_1:
0x0: {  	(tag) =	ssettag $0x1  }
0x1: {  	s1 =	srdreg.scid  }
0x2: {  	s0 =	stileid.u32;
	s13 =	sand.u32 $0x1, s1  }
0x3: {  	s30 =	sshll.u32 s0, $0x9;
	s2 =	sshll.u32 s13, $0x8  }
0x4: {  	s23 =	rddreg [dreg:$0x0];
	s19 =	sor.u32 s2, s30  }
0x5: {  	s4 =	rddreg [dreg:$0x1];
	s2 =	simm.s32 $0x0;
	s6 =	sshrl.u32 s19, $0x3  }
0x6: {  	s3 =	simm.s32 $0x4;
	[smem:$0x7FF] =	sst s2;
	s26 =	sadd.s32 s6, s23  }
0x7: {  	s1 =	rddreg [dreg:$0x2];
	_ =	strace $0x80000047;
	s5 =	sadd.s32 $0x318200, s26  }
0x8: {  	[tilespmem:s2], [sflag:$0x4] =	stream.linear.gather [hbm4b:s5+s2], $0x100, $0x38;
	[tilespmem:$0x8480] =	vst v63  }
0x9: {  	_ =	swait.ge [sflag:s3], $0x100  }
0xa: {  	[sflag:s3] =	ssyncset.done $0x0  }
0xb: {  	s7 =	simm.s32 $0x100;
	s6 =	sadd.s32 s4, s6;
	[sflag:s3] =	ssyncadd.s32 $0xFFFFFF00  }
0xc: {  	[tilespmem:s7], [sflag:$0x4] =	stream.linear.gather [hbm4b:s6+s2], $0x100, $0x38;
	[tilespmem:$0x8480] =	vst v63  }
0xd: {  	_ =	swait.ge [sflag:s3], $0x100  }
0xe: {  	[sflag:s3] =	ssyncset.done $0x0  }
0xf: {  	s9 =	simm.s32 $0x400;
	s8 =	sadd.s32 $0x4C00, s23;
	[sflag:s3] =	ssyncadd.s32 $0xFFFFFF00  }
0x10: {  	[tilespmem:s9], [sflag:$0x4] =	stream.linear.gather [hbm4b:s8+s2], $0x80, $0x38;
	[tilespmem:$0x8480] =	vst v63  }
0x11: {  	_ =	swait.ge [sflag:s3], $0x80  }
0x12: {  	[sflag:s3] =	ssyncset.done $0x0  }
0x13: {  	s10 =	sadd.s32 $0x311E00, s23;
	s4 =	simm.s32 $0x200;
	[sflag:s3] =	ssyncadd.s32 $0xFFFFFF80  }
0x14: {  	[tilespmem:s4], [sflag:$0x3] =	stream.indirect.gather [hbm4b:s10+s7], $0x1, s2, s7, $0xb8;
	[tilespmem:$0x8480] =	vst v63  }
0x15: {  	s12 =	simm.s32 $0x300;
	s11 =	sadd.s32 $0x315000, s23  }
0x16: {  	[tilespmem:s12], [sflag:$0x3] =	stream.indirect.gather [hbm4b:s11+s7], $0x1, s7, s7, $0xb8;
	[tilespmem:$0x8480] =	vst v63  }
0x17: {  	s15 =	simm.s32 $0x80;
	s16 =	simm.s32 $0x480;
	s14 =	sadd.s32 $0x318E00, s23  }
0x18: {  	[tilespmem:s16], [sflag:$0x1] =	stream.indirect.gather [hbm4b:s14+s15], $0x80, s2, s15, $0xb8;
	[tilespmem:$0x8480] =	vst v63  }
0x19: {  	s17 =	simm.s32 $0x4480;
	s18 =	simm.s32 $0x1  }
0x1a: {  	[tilespmem:s17], [sflag:$0x2] =	stream.indirect.gather [hbm4b:s14+s15], $0x80, s15, s15, $0xb8;
	[tilespmem:$0x8480] =	vst v63  }
0x1b: {  	_ =	swait.ge [sflag:s18], $0x4000  }
0x1c: {  	s21 =	sadd.s32 $0x4E00, s23;
	s24 =	sshll.u32 s19, $0x4;
	[sflag:s18] =	ssyncset.done $0x0  }
0x1d: {  	s19 =	sadd.s32 s21, s24;
	[sflag:s18] =	ssyncadd.s32 $0xFFFFC000  }
0x1e: {  	[hbm4b:s19+s2] =	stream.linear.scatter [tilespmem:s16], [sflag:$0x4], $0x4000, $0x38;
	[tilespmem:$0x8480] =	vst v63  }
0x1f: {  	_ =	swait.ge [sflag:s3], $0x4000  }
0x20: {  	[sflag:s3] =	ssyncset.done $0x0  }
0x21: {  	s20 =	simm.s32 $0x2;
	[sflag:s3] =	ssyncadd.s32 $0xFFFFC000  }
0x22: {  	[tilespmem:s16], [sflag:$0x1] =	stream.indirect.gather [hbm4b:s14+s15], $0x80, s7, s15, $0xb8;
	[tilespmem:$0x8480] =	vst v63  }
0x23: {  	_ =	swait.ge [sflag:s20], $0x4000  }
0x24: {  	s25 =	sor.u32 $0x800, s24;
	[sflag:s20] =	ssyncset.done $0x0  }
0x25: {  	s21 =	sadd.s32 s21, s25;
	[sflag:s20] =	ssyncadd.s32 $0xFFFFC000  }
0x26: {  	[hbm4b:s21+s2] =	stream.linear.scatter [tilespmem:s17], [sflag:$0x4], $0x4000, $0x38;
	[tilespmem:$0x8480] =	vst v63  }
0x27: {  	_ =	swait.ge [sflag:s3], $0x4000  }
0x28: {  	[sflag:s3] =	ssyncset.done $0x0  }
0x29: {  	s22 =	simm.s32 $0x180;
	[sflag:s3] =	ssyncadd.s32 $0xFFFFC000  }
0x2a: {  	[tilespmem:s17], [sflag:$0x2] =	stream.indirect.gather [hbm4b:s14+s15], $0x80, s22, s15, $0xb8;
	[tilespmem:$0x8480] =	vst v63  }
0x2b: {  	_ =	swait.ge [sflag:s18], $0x4000  }
0x2c: {  	s28 =	sadd.s32 $0x24E00, s23;
	[sflag:s18] =	ssyncset.done $0x0  }
0x2d: {  	s23 =	sadd.s32 s28, s24;
	[sflag:s18] =	ssyncadd.s32 $0xFFFFC000  }
0x2e: {  	[hbm4b:s23+s2] =	stream.linear.scatter [tilespmem:s16], [sflag:$0x4], $0x4000, $0x38;
	[tilespmem:$0x8480] =	vst v63  }
0x2f: {  	_ =	swait.ge [sflag:s3], $0x4000  }
0x30: {  	[sflag:s3] =	ssyncset.done $0x0  }
0x31: {  	[sflag:s3] =	ssyncadd.s32 $0xFFFFC000  }
0x32: {  	_ =	swait.ge [sflag:s20], $0x4000  }
0x33: {  	[sflag:s20] =	ssyncset.done $0x0  }
0x34: {  	s24 =	sadd.s32 s28, s25;
	[sflag:s20] =	ssyncadd.s32 $0xFFFFC000  }
0x35: {  	[hbm4b:s24+s2] =	stream.linear.scatter [tilespmem:s17], [sflag:$0x4], $0x4000, $0x38;
	[tilespmem:$0x8480] =	vst v63  }
0x36: {  	_ =	swait.ge [sflag:s3], $0x4000  }
0x37: {  	[sflag:s3] =	ssyncset.done $0x0  }
0x38: {  	s25 =	simm.s32 $0x3;
	[sflag:s3] =	ssyncadd.s32 $0xFFFFC000  }
0x39: {  	_ =	swait.ge [sflag:s25], $0x100  }
0x3a: {  	[sflag:s25] =	ssyncset.done $0x0  }
0x3b: {  	[sflag:s25] =	ssyncadd.s32 $0xFFFFFF00  }
0x3c: {  	_ =	swait.ge [sflag:s25], $0x100  }
0x3d: {  	[sflag:s25] =	ssyncset.done $0x0  }
0x3e: {  	[sflag:s25] =	ssyncadd.s32 $0xFFFFFF00  }
0x3f: {  	v3 =	vld [tilespmem:$0x3A0]  }
0x40: {  	v0 =	vld [tilespmem:$0x400]  }
0x41: {  	s13 =	ssub.s32 $0x2, s13;
	v2 =	vld [tilespmem:$0x3B0]  }
0x42: {  	s31 =	sshrl.u32 s13, $0x1;
	v6 =	vld [tilespmem:$0x390]  }
0x43: {  	s13 =	ssub.s32 s13, s31;
	v1 =	vld [tilespmem:$0x2E0]  }
0x44: {  	s28 =	smax.u32 s13, $0x1;
	v5 =	vld [tilespmem:$0x2A0]  }
0x45: {  	p0 =	sne.s32 s28, $0x1;
	v4 =	vld [tilespmem:$0x2B0]  }
.Ltmp0:
0x46: {  	v8 =	vld [tilespmem:$0x380];
	(pc) =	sbr.rel @!p0 .LBB2_2-.Ltmp0, $4  }
0x47: {  	v7 =	vld [tilespmem:$0x290]  }
0x48: {  	v9 =	vld [tilespmem:$0x280]  }
0x49: {  	v10 =	vld [tilespmem:$0x3F0]  }
0x4a: {  	s13 =	sadd.s32 $0x44E00, s26;
	s26 =	sadd.s32 $0xFFFFFFFF, s28;
	v11 =	vld [tilespmem:$0x340]  }
.LBB2_1:
0x4b: {  	p0 =	sne.s32 s26, $0x1;
	s26 =	sadd.s32 $0xFFFFFFFF, s26;
	v12 =	vld [tilespmem:$0x320]  }
0x4c: {  	v13 =	vld [tilespmem:$0x350]  }
0x4d: {  	v14 =	vld [tilespmem:$0x240]  }
0x4e: {  	v15 =	vld [tilespmem:$0x200]  }
0x4f: {  	v16 =	vld [tilespmem:$0x330]  }
0x50: {  	v17 =	vld [tilespmem:$0x260]  }
0x51: {  	v18 =	vld [tilespmem:$0x220]  }
0x52: {  	v19 =	vld [tilespmem:$0x2F0]  }
0x53: {  	v20 =	vld [tilespmem:$0x230]  }
0x54: {  	v21 =	vld [tilespmem:$0x250]  }
0x55: {  	v22 =	vld [tilespmem:$0x360]  }
0x56: {  	v11 =	vadd.f32 v11, v14;
	v23 =	vld [tilespmem:$0x300];
	v12 =	vadd.f32 v12, v18  }
0x57: {  	v8 =	vadd.f32 v8, v9;
	v14 =	vld [tilespmem:$0x310];
	v9 =	vadd.f32 v10, v19  }
0x58: {  	v11 =	vadd.f32 v11, v0;
	v10 =	vld [tilespmem:$0x210];
	v16 =	vadd.f32 v16, v20  }
0x59: {  	v6 =	vadd.f32 v6, v7;
	v8 =	vadd.f32 v8, v0;
	v7 =	vld [tilespmem:$0x2D0]  }
0x5a: {  	v9 =	vadd.f32 v9, v0;
	[tilespmem:$0x240] =	vst v11;
	v11 =	vadd.f32 v13, v21;
	v13 =	vld [tilespmem:$0x3D0]  }
0x5b: {  	v6 =	vadd.f32 v6, v0;
	v17 =	vadd.f32 v22, v17;
	v18 =	vld [tilespmem:$0x370];
	[tilespmem:$0x280] =	vst v8  }
0x5c: {  	v3 =	vadd.f32 v3, v5;
	v8 =	vadd.f32 v16, v0;
	v16 =	vld [tilespmem:$0x270];
	[tilespmem:$0x2F0] =	vst v9  }
0x5d: {  	v2 =	vadd.f32 v2, v4;
	v5 =	vadd.f32 v23, v15;
	[tilespmem:$0x290] =	vst v6;
	v4 =	vld [tilespmem:$0x3E0]  }
0x5e: {  	v3 =	vadd.f32 v3, v0;
	v6 =	vadd.f32 v17, v0;
	[tilespmem:$0x230] =	vst v8;
	v8 =	vld [tilespmem:$0x2C0]  }
0x5f: {  	v2 =	vadd.f32 v2, v0;
	v9 =	vadd.f32 v14, v10  }
0x60: {  	v10 =	vadd.f32 v11, v0;
	v7 =	vadd.f32 v13, v7;
	[tilespmem:$0x260] =	vst v6;
	v6 =	vld [tilespmem:$0x3C0]  }
0x61: {  	v11 =	vadd.f32 v12, v0;
	v12 =	vadd.f32 v18, v16  }
0x62: {  	v7 =	vadd.f32 v7, v0;
	[tilespmem:$0x250] =	vst v10;
	v1 =	vadd.f32 v4, v1  }
0x63: {  	v4 =	vadd.f32 v5, v0;
	[tilespmem:$0x220] =	vst v11;
	v5 =	vadd.f32 v12, v0  }
0x64: {  	v9 =	vadd.f32 v9, v0;
	[tilespmem:$0x2A0] =	vst v3;
	v1 =	vadd.f32 v1, v0  }
0x65: {  	[tilespmem:$0x200] =	vst v4;
	v3 =	vadd.f32 v6, v8  }
0x66: {  	[tilespmem:$0x2B0] =	vst v2  }
0x67: {  	v0 =	vadd.f32 v3, v0;
	[tilespmem:$0x2D0] =	vst v7  }
0x68: {  	[tilespmem:$0x2E0] =	vst v1  }
0x69: {  	[tilespmem:$0x270] =	vst v5  }
0x6a: {  	[tilespmem:$0x2C0] =	vst v0  }
0x6b: {  	[tilespmem:$0x210] =	vst v9  }
0x6c: {  	[hbm4b:s13+s2] =	stream.linear.scatter [tilespmem:s4], [sflag:$0x4], $0x100, $0x38;
	[tilespmem:$0x8480] =	vst v63  }
0x6d: {  	_ =	swait.ge [sflag:s3], $0x100  }
0x6e: {  	[sflag:s3] =	ssyncset.done $0x0  }
0x6f: {  	[sflag:s3] =	ssyncadd.s32 $0xFFFFFF00  }
0x70: {  	[tilespmem:s2], [sflag:$0x4] =	stream.linear.gather [hbm4b:s5+s2], $0x100, $0x38;
	[tilespmem:$0x8480] =	vst v63  }
0x71: {  	_ =	swait.ge [sflag:s3], $0x100  }
0x72: {  	[sflag:s3] =	ssyncset.done $0x0  }
0x73: {  	[sflag:s3] =	ssyncadd.s32 $0xFFFFFF00  }
0x74: {  	[tilespmem:s7], [sflag:$0x4] =	stream.linear.gather [hbm4b:s6+s2], $0x100, $0x38;
	[tilespmem:$0x8480] =	vst v63  }
0x75: {  	_ =	swait.ge [sflag:s3], $0x100  }
0x76: {  	[sflag:s3] =	ssyncset.done $0x0  }
0x77: {  	[sflag:s3] =	ssyncadd.s32 $0xFFFFFF00  }
0x78: {  	[tilespmem:s9], [sflag:$0x4] =	stream.linear.gather [hbm4b:s8+s2], $0x80, $0x38;
	[tilespmem:$0x8480] =	vst v63  }
0x79: {  	_ =	swait.ge [sflag:s3], $0x80  }
0x7a: {  	[sflag:s3] =	ssyncset.done $0x0  }
0x7b: {  	[sflag:s3] =	ssyncadd.s32 $0xFFFFFF80  }
0x7c: {  	[tilespmem:s4], [sflag:$0x3] =	stream.indirect.gather [hbm4b:s10+s7], $0x1, s2, s7, $0xb8;
	[tilespmem:$0x8480] =	vst v63  }
0x7d: {  	_ = 	snop  }
0x7e: {  	[tilespmem:s12], [sflag:$0x3] =	stream.indirect.gather [hbm4b:s11+s7], $0x1, s7, s7, $0xb8;
	[tilespmem:$0x8480] =	vst v63  }
0x7f: {  	_ = 	snop  }
0x80: {  	[tilespmem:s16], [sflag:$0x1] =	stream.indirect.gather [hbm4b:s14+s15], $0x80, s2, s15, $0xb8;
	[tilespmem:$0x8480] =	vst v63  }
0x81: {  	_ = 	snop  }
0x82: {  	[tilespmem:s17], [sflag:$0x2] =	stream.indirect.gather [hbm4b:s14+s15], $0x80, s15, s15, $0xb8;
	[tilespmem:$0x8480] =	vst v63  }
0x83: {  	_ =	swait.ge [sflag:s18], $0x4000  }
0x84: {  	[sflag:s18] =	ssyncset.done $0x0  }
0x85: {  	[sflag:s18] =	ssyncadd.s32 $0xFFFFC000  }
0x86: {  	[hbm4b:s19+s2] =	stream.linear.scatter [tilespmem:s16], [sflag:$0x4], $0x4000, $0x38;
	[tilespmem:$0x8480] =	vst v63  }
0x87: {  	_ =	swait.ge [sflag:s3], $0x4000  }
0x88: {  	[sflag:s3] =	ssyncset.done $0x0  }
0x89: {  	[sflag:s3] =	ssyncadd.s32 $0xFFFFC000  }
0x8a: {  	[tilespmem:s16], [sflag:$0x1] =	stream.indirect.gather [hbm4b:s14+s15], $0x80, s7, s15, $0xb8;
	[tilespmem:$0x8480] =	vst v63  }
0x8b: {  	_ =	swait.ge [sflag:s20], $0x4000  }
0x8c: {  	[sflag:s20] =	ssyncset.done $0x0  }
0x8d: {  	[sflag:s20] =	ssyncadd.s32 $0xFFFFC000  }
0x8e: {  	[hbm4b:s21+s2] =	stream.linear.scatter [tilespmem:s17], [sflag:$0x4], $0x4000, $0x38;
	[tilespmem:$0x8480] =	vst v63  }
0x8f: {  	_ =	swait.ge [sflag:s3], $0x4000  }
0x90: {  	[sflag:s3] =	ssyncset.done $0x0  }
0x91: {  	[sflag:s3] =	ssyncadd.s32 $0xFFFFC000  }
0x92: {  	[tilespmem:s17], [sflag:$0x2] =	stream.indirect.gather [hbm4b:s14+s15], $0x80, s22, s15, $0xb8;
	[tilespmem:$0x8480] =	vst v63  }
0x93: {  	_ =	swait.ge [sflag:s18], $0x4000  }
0x94: {  	[sflag:s18] =	ssyncset.done $0x0  }
0x95: {  	[sflag:s18] =	ssyncadd.s32 $0xFFFFC000  }
0x96: {  	[hbm4b:s23+s2] =	stream.linear.scatter [tilespmem:s16], [sflag:$0x4], $0x4000, $0x38;
	[tilespmem:$0x8480] =	vst v63  }
0x97: {  	_ =	swait.ge [sflag:s3], $0x4000  }
0x98: {  	[sflag:s3] =	ssyncset.done $0x0  }
0x99: {  	[sflag:s3] =	ssyncadd.s32 $0xFFFFC000  }
0x9a: {  	_ =	swait.ge [sflag:s20], $0x4000  }
0x9b: {  	[sflag:s20] =	ssyncset.done $0x0  }
0x9c: {  	[sflag:s20] =	ssyncadd.s32 $0xFFFFC000  }
0x9d: {  	[hbm4b:s24+s2] =	stream.linear.scatter [tilespmem:s17], [sflag:$0x4], $0x4000, $0x38;
	[tilespmem:$0x8480] =	vst v63  }
0x9e: {  	_ =	swait.ge [sflag:s3], $0x4000  }
0x9f: {  	[sflag:s3] =	ssyncset.done $0x0  }
0xa0: {  	[sflag:s3] =	ssyncadd.s32 $0xFFFFC000  }
0xa1: {  	_ =	swait.ge [sflag:s25], $0x100  }
0xa2: {  	[sflag:s25] =	ssyncset.done $0x0  }
0xa3: {  	[sflag:s25] =	ssyncadd.s32 $0xFFFFFF00  }
0xa4: {  	_ =	swait.ge [sflag:s25], $0x100  }
0xa5: {  	[sflag:s25] =	ssyncset.done $0x0  }
0xa6: {  	[sflag:s25] =	ssyncadd.s32 $0xFFFFFF00  }
0xa7: {  	v3 =	vld [tilespmem:$0x3A0]  }
0xa8: {  	v0 =	vld [tilespmem:$0x400]  }
0xa9: {  	v2 =	vld [tilespmem:$0x3B0]  }
0xaa: {  	v6 =	vld [tilespmem:$0x390]  }
0xab: {  	v1 =	vld [tilespmem:$0x2E0]  }
0xac: {  	v5 =	vld [tilespmem:$0x2A0]  }
0xad: {  	v4 =	vld [tilespmem:$0x2B0]  }
.Ltmp1:
0xae: {  	v8 =	vld [tilespmem:$0x380];
	(pc) =	sbr.rel @p0 .LBB2_1-.Ltmp1, $4  }
0xaf: {  	v7 =	vld [tilespmem:$0x290]  }
0xb0: {  	v9 =	vld [tilespmem:$0x280]  }
0xb1: {  	v10 =	vld [tilespmem:$0x3F0]  }
0xb2: {  	v11 =	vld [tilespmem:$0x340]  }
.LBB2_2:
0xb3: {  	v12 =	vld [tilespmem:$0x320]  }
0xb4: {  	v13 =	vld [tilespmem:$0x350]  }
0xb5: {  	v14 =	vld [tilespmem:$0x240]  }
0xb6: {  	v15 =	vld [tilespmem:$0x200]  }
0xb7: {  	v16 =	vld [tilespmem:$0x330]  }
0xb8: {  	v17 =	vld [tilespmem:$0x260]  }
0xb9: {  	v19 =	vld [tilespmem:$0x2F0]  }
0xba: {  	v20 =	vld [tilespmem:$0x230]  }
0xbb: {  	v21 =	vld [tilespmem:$0x250]  }
0xbc: {  	v22 =	vld [tilespmem:$0x360]  }
0xbd: {  	v43 =	vld [tilespmem:$0x300];
	v3 =	vadd.f32 v3, v5  }
0xbe: {  	v44 =	vld [tilespmem:$0x310];
	v2 =	vadd.f32 v2, v4  }
0xbf: {  	v45 =	vld [tilespmem:$0x2D0];
	v6 =	vadd.f32 v6, v7;
	v3 =	vadd.f32 v3, v0  }
0xc0: {  	v46 =	vld [tilespmem:$0x3D0];
	v8 =	vadd.f32 v8, v9;
	v2 =	vadd.f32 v2, v0  }
0xc1: {  	v47 =	vld [tilespmem:$0x370];
	v6 =	vadd.f32 v6, v0;
	[tilespmem:$0x2A0] =	vst v3;
	v11 =	vadd.f32 v11, v14  }
0xc2: {  	v50 =	vld [tilespmem:$0x270];
	v8 =	vadd.f32 v8, v0;
	[tilespmem:$0x2B0] =	vst v2;
	v10 =	vadd.f32 v10, v19  }
0xc3: {  	v52 =	vld [tilespmem:$0x3E0];
	v16 =	vadd.f32 v16, v20;
	[tilespmem:$0x290] =	vst v6;
	v11 =	vadd.f32 v11, v0  }
0xc4: {  	v54 =	vld [tilespmem:$0x2C0];
	v17 =	vadd.f32 v22, v17;
	[tilespmem:$0x280] =	vst v8;
	v10 =	vadd.f32 v10, v0  }
0xc5: {  	v56 =	vld [tilespmem:$0x3C0];
	v48 =	vadd.f32 v13, v21;
	v49 =	vadd.f32 v16, v0;
	[tilespmem:$0x240] =	vst v11  }
0xc6: {  	v57 =	vld [tilespmem:$0x210];
	v55 =	vadd.f32 v43, v15;
	v53 =	vadd.f32 v17, v0;
	[tilespmem:$0x2F0] =	vst v10  }
0xc7: {  	v18 =	vld [tilespmem:$0x220];
	v58 =	vadd.f32 v46, v45;
	v8 =	vadd.f32 v48, v0;
	[tilespmem:$0x230] =	vst v49  }
0xc8: {  	v1 =	vadd.f32 v52, v1;
	v59 =	vadd.f32 v55, v0;
	[tilespmem:$0x260] =	vst v53  }
0xc9: {  	v60 =	vadd.f32 v47, v50;
	v4 =	vadd.f32 v58, v0;
	[tilespmem:$0x250] =	vst v8  }
0xca: {  	v5 =	vadd.f32 v56, v54;
	v1 =	vadd.f32 v1, v0;
	[tilespmem:$0x200] =	vst v59  }
0xcb: {  	v61 =	vadd.f32 v44, v57;
	v3 =	vadd.f32 v60, v0;
	[tilespmem:$0x2D0] =	vst v4  }
0xcc: {  	v51 =	vadd.f32 v12, v18;
	v62 =	vadd.f32 v5, v0;
	[tilespmem:$0x2E0] =	vst v1  }
0xcd: {  	v63 =	vadd.f32 v61, v0;
	[tilespmem:$0x270] =	vst v3  }
0xce: {  	v10 =	vadd.f32 v51, v0;
	[tilespmem:$0x2C0] =	vst v62  }
0xcf: {  	[tilespmem:$0x210] =	vst v63  }
0xd0: {  	[tilespmem:$0x220] =	vst v10  }
0xd1: {  	[hbm4b:s13+s2] =	stream.linear.scatter [tilespmem:s4], [sflag:$0x4], $0x100, $0x38;
	[tilespmem:$0x8480] =	vst v63  }
0xd2: {  	_ =	swait.ge [sflag:s3], $0x100  }
0xd3: {  	[sflag:s3] =	ssyncset.done $0x0  }
0xd4: {  	[sflag:s3] =	ssyncadd.s32 $0xFFFFFF00  }
0xd5: {  	_ =	sfence.sel $0x180000  }
0xd6: {  	[bflag:$0x0] =	sbarrier.arrive $0xFFFF  }
0xd7: {  	p0 =	sne.s32 s0, $0x0;
	_ =	strace $0x90000047  }
0xd8: {  	s0 =	sadd.s32 @!p0 $0x100000, s1;
	[bflag:$0x2] =	sbarrier.arrive $0xFFFF  }
0xd9: {  	[sflag:s0] =	ssyncadd.tile.s32 @!p0 $0x1;
	_ =	shalt  }
.Lfunc_end2:
_tile_overlayer_lowered:
.L_overlay_start_2:
0xda: {  	(tag) =	ssettag $0x2  }
0xdb: {  	s0 =	rddreg [dreg:$0x0];
	s2 =	stileid.u32  }
0xdc: {  	s1 =	rddreg [dreg:$0x1];
	p0 =	sne.s32 s2, $0x0  }
0xdd: {  	s3 =	rddreg [dreg:$0x2];
	[bflag:$0x3] =	sbarrier.arrive $0xFFFF;
	s2 =	simm.s32 @!p0 $0x1C04  }
0xde: {  	[timem:s3], [sflag:s2] =	dma.local @!p0 [hbm:s0], s1  }
0xdf: {  	s0 =	simm.s32 @!p0 $0x4  }
0xe0: {  	_ =	swait.ge @!p0 [sflag:s0], s1  }
0xe1: {  	s1 =	ssub.s32 @!p0 $0x0, s1;
	[sflag:s0] =	ssyncset.done @!p0 $0x0  }
0xe2: {  	[sflag:s0] =	ssyncadd.s32 @!p0 s1  }
0xe3: {  	[bflag:$0x3] =	sbarrier.arrive $0xFFFF  }
0xe4: {  	_ =	shalt  }

// kernel: kernel.9.cloned.1.call-start
scs
__scs_entry_jumppad:
0x0: {  	(pc) =	sbr.rel $0x88, $3  }
0x1: {  	(tag) =	ssettag $0x0;
	lr =	simm.s32 $0x1  }
0x2: {  	[smem:$0x3F8B] =	sst lr;
	_ =	strace $0xD0000000  }
0x3: {  	_ = 	snop  }
0x4: {  	_ = 	snop  }
0x5: {  	_ = 	snop  }
0x6: {  	_ = 	snop  }
0x7: {  	_ = 	snop  }
__scs_overlays_trampoline_lowered:
0x8: {  	[smem:$0x3F9A] =	sst s0  }
0x9: {  	[smem:$0x3F9B] =	sst s1  }
0xa: {  	[smem:$0x3F9C] =	sst s2  }
0xb: {  	[smem:$0x3F9D] =	sst s3  }
0xc: {  	[smem:$0x3F9E] =	sst s4  }
0xd: {  	[smem:$0x3F9F] =	sst s5  }
0xe: {  	[smem:$0x3FA0] =	sst s6  }
0xf: {  	[smem:$0x3FA1] =	sst s7  }
0x10: {  	[smem:$0x3FA2] =	sst s8  }
0x11: {  	[smem:$0x3FA3] =	sst s9;
	s0 =	simm.s32 @!p0 $0x0  }
0x12: {  	s1 =	sld [smem:$0x3F89];
	s0 =	simm.s32 @p0 $0x1  }
0x13: {  	[smem:$0x3FA4] =	sst s0;
	s0 =	simm.s32 @!p1 $0x0  }
0x14: {  	s2 =	sld [smem:$0x3F88];
	s0 =	simm.s32 @p1 $0x1  }
0x15: {  	[smem:$0x3FA5] =	sst s0;
	s0 =	simm.s32 @!p2 $0x0  }
0x16: {  	s3 =	sld [smem:$0x3FDB];
	s0 =	simm.s32 @p2 $0x1  }
0x17: {  	s4 =	simm.s32 $0x1BF5;
	[smem:$0x3FA7] =	sst s0  }
0x18: {  	s0 =	sld [smem:$0x3F8A];
	_ =	swait.ge [sflag:s4], $0x0  }
0x19: {  	s7 =	sld [smem:$0x3F8B]  }
0x1a: {  	s8 =	sadd.s32 $0xFFFFE003, lr  }
0x1b: {  	s9 =	sadd.s32 $0xFFFFFEF7, lr;
	s5 =	simm.s32 $0xFFFFFFFF;
	p2 =	slt.u32 s8, $0xFFFFF086  }
0x1c: {  	p1 =	slt.u32 s9, $0xF7A;
	s5 =	simm.s32 @!p2 $0x0  }
0x1d: {  	s5 =	simm.s32 @p1 $0x1;
	p0 =	seq.s32 s7, s2  }
0x1e: {  	s7 =	smul.u32 @!p0 $0xF7A, s2;
	p2 =	seq.s32 @!p0 s5, $0x0  }
0x1f: {  	s9 =	smul.u32 $0xF7A, s1;
	s8 =	simm.s32 @!p0 $0x1BF5;
	p2 =	por !p2, p0  }
0x20: {  	[sflag:s8] =	ssyncset.s32 @!p0 $0xFFFFF086;
	s6 =	sadd.s32 @!p0 s3, s7;
	s7 =	simm.s32 @!p0 $0x108  }
0x21: {  	s3 =	sadd.s32 s3, s9;
	s6 =	sadd.s32 @!p0 $0x88, s6;
	s7 =	simm.s32 @p2 $0x1082  }
0x22: {  	[simem:s7], [sflag:s8] =	dma.local @!p0 [hbm:s6], $0xF7A  }
0x23: {  	s9 =	sor.u32 $0xD0000000, s2;
	s6 =	simm.s32 $0x108;
	_ =	swait.ge @!p0 [sflag:s8], $0x0  }
0x24: {  	s3 =	sadd.s32 $0x88, s3;
	s6 =	simm.s32 @!p1 $0x1082;
	[sflag:s4] =	ssyncset.s32 $0xFFFFF086  }
0x25: {  	[simem:s6], [sflag:s4] =	dma.local [hbm:s3], $0xF7A  }
0x26: {  	[smem:$0x3F8B] =	sst s1;
	(tag) =	ssettag s2;
	_ =	strace s9  }
0x27: {  	s1 =	sld [smem:$0x3F9B]  }
0x28: {  	s2 =	sld [smem:$0x3F9C]  }
0x29: {  	s4 =	sld [smem:$0x3F9E]  }
0x2a: {  	p0 =	seq.s32 s5, $0x0;
	s5 =	sld [smem:$0x3F9F]  }
0x2b: {  	s6 =	sld [smem:$0x3FA0]  }
0x2c: {  	s7 =	sld [smem:$0x3FA1]  }
0x2d: {  	s3 =	simm.s32 $0x108;
	s8 =	sld [smem:$0x3FA2]  }
0x2e: {  	s3 =	simm.s32 @!p0 $0x1082;
	s9 =	sld [smem:$0x3FA3]  }
0x2f: {  	lr =	sadd.s32 s0, s3;
	s0 =	sld [smem:$0x3F9A]  }
0x30: {  	s3 =	sld [smem:$0x3F9D]  }
0x31: {  	[smem:$0x3FA6] =	sst s10  }
0x32: {  	s10 =	sld [smem:$0x3FA4];
	_ =	sdelay $0x3  }
0x33: {  	p0 =	seq.s32 s10, $0x1;
	s10 =	sld [smem:$0x3FA6];
	_ =	sdelay $0x3  }
0x34: {  	[smem:$0x3FA6] =	sst s10  }
0x35: {  	s10 =	sld [smem:$0x3FA5];
	_ =	sdelay $0x3  }
0x36: {  	p1 =	seq.s32 s10, $0x1;
	s10 =	sld [smem:$0x3FA6];
	_ =	sdelay $0x3  }
0x37: {  	[smem:$0x3FA6] =	sst s10  }
0x38: {  	s10 =	sld [smem:$0x3FA7]  }
0x39: {  	_ = 	snop;
	(pc) =	sbr.ind lr, $3  }
0x3a: {  	_ = 	snop  }
0x3b: {  	_ = 	snop  }
0x3c: {  	p2 =	seq.s32 s10, $0x1;
	s10 =	sld [smem:$0x3FA6]  }
0x3d: {  	_ =	shalt  }
0x3e: {  	_ =	shalt  }
0x3f: {  	_ =	shalt  }
0x40: {  	_ =	shalt  }
0x41: {  	_ =	shalt  }
0x42: {  	_ =	shalt  }
0x43: {  	_ =	shalt  }
0x44: {  	_ =	shalt  }
0x45: {  	_ =	shalt  }
0x46: {  	_ =	shalt  }
0x47: {  	_ =	shalt  }
0x48: {  	_ =	shalt  }
0x49: {  	_ =	shalt  }
0x4a: {  	_ =	shalt  }
0x4b: {  	_ =	shalt  }
0x4c: {  	_ =	shalt  }
0x4d: {  	_ =	shalt  }
0x4e: {  	_ =	shalt  }
0x4f: {  	_ =	shalt  }
0x50: {  	_ =	shalt  }
0x51: {  	_ =	shalt  }
0x52: {  	_ =	shalt  }
0x53: {  	_ =	shalt  }
0x54: {  	_ =	shalt  }
0x55: {  	_ =	shalt  }
0x56: {  	_ =	shalt  }
0x57: {  	_ =	shalt  }
0x58: {  	_ =	shalt  }
0x59: {  	_ =	shalt  }
0x5a: {  	_ =	shalt  }
0x5b: {  	_ =	shalt  }
0x5c: {  	_ =	shalt  }
0x5d: {  	_ =	shalt  }
0x5e: {  	_ =	shalt  }
0x5f: {  	_ =	shalt  }
0x60: {  	_ =	shalt  }
0x61: {  	_ =	shalt  }
0x62: {  	_ =	shalt  }
0x63: {  	_ =	shalt  }
0x64: {  	_ =	shalt  }
0x65: {  	_ =	shalt  }
0x66: {  	_ =	shalt  }
0x67: {  	_ =	shalt  }
0x68: {  	_ =	shalt  }
0x69: {  	_ =	shalt  }
0x6a: {  	_ =	shalt  }
0x6b: {  	_ =	shalt  }
0x6c: {  	_ =	shalt  }
0x6d: {  	_ =	shalt  }
0x6e: {  	_ =	shalt  }
0x6f: {  	_ =	shalt  }
0x70: {  	_ =	shalt  }
0x71: {  	_ =	shalt  }
0x72: {  	_ =	shalt  }
0x73: {  	_ =	shalt  }
0x74: {  	_ =	shalt  }
0x75: {  	_ =	shalt  }
0x76: {  	_ =	shalt  }
0x77: {  	_ =	shalt  }
0x78: {  	_ =	shalt  }
0x79: {  	_ =	shalt  }
0x7a: {  	_ =	shalt  }
0x7b: {  	_ =	shalt  }
0x7c: {  	_ =	shalt  }
0x7d: {  	_ =	shalt  }
0x7e: {  	_ =	shalt  }
0x7f: {  	_ =	shalt  }
0x80: {  	_ =	shalt  }
0x81: {  	_ =	shalt  }
0x82: {  	_ =	shalt  }
0x83: {  	_ =	shalt  }
0x84: {  	_ =	shalt  }
0x85: {  	_ =	shalt  }
0x86: {  	_ =	shalt  }
0x87: {  	_ =	shalt  }
.Lfunc_end0:
.L_simem_size_0:
called_computation.1_lowered:
.L_overlay_start_0:
0x88: {  	s2 =	sld [smem:$0x3FD9]  }
0x89: {  	s3 =	sld [smem:$0x3FFE];
	_ =	sdelay $0x1  }
0x8a: {  	s1 =	srdreg.scid  }
0x8b: {  	s0 =	sand.u32 $0x1, s1  }
0x8c: {  	s17 =	sshll.u32 s0, $0xA;
	s2 =	sadd.s32 s3, s2  }
0x8d: {  	s2 =	sadd.s32 s2, s17  }
0x8e: {  	[smem:$0x3FB2] =	sst s2  }
0x8f: {  	_ = 	snop  }
0x90: {  	(tm) =	ssettm $0x1  }
0x91: {  	s18 =	sld [smem:$0x3FFB];
	_ =	sdelay $0x3  }
0x92: {  	_ =	strace s18  }
0x93: {  	s2 =	sld [smem:$0x3FFC];
	_ =	sdelay $0x3  }
0x94: {  	_ =	strace s2  }
0x95: {  	s2 =	sld [smem:$0x3FFD];
	_ =	sdelay $0x3  }
0x96: {  	_ =	strace s2  }
0x97: {  	_ =	strace $0x8FFFFFFF  }
0x98: {  	s19 =	sld [smem:$0x3FDB];
	_ =	sdelay $0x1  }
0x99: {  	s20 =	simm.s32 $_scs_section_size  }
0x9a: {  	s4 =	simm.s32 $_size__tile_overlayer_lowered;
	s5 =	simm.s32 $_tile_overlayer_lowered  }
0x9b: {  	s6 =	simm.s32 $0x1BFF;
	s21 =	sshll.u32 s5, $0x1;
	s3 =	sadd.s32 s20, s19  }
0x9c: {  	s22 =	simm.s32 $0x0;
	s4 =	sshll.u32 s4, $0x1;
	s5 =	sadd.s32 s21, s3  }
0x9d: {  	[timem:s22], [sflag:s6] =	dma.local [hbm:s5], s4  }
0x9e: {  	_ =	swait.ge [sflag:s6], s4  }
0x9f: {  	s4 =	ssub.s32 $0x0, s4;
	[sflag:s6] =	ssyncset.done $0x0  }
0xa0: {  	[sflag:s6] =	ssyncadd.s32 s4;
	_ =	sdelay $0x1  }
0xa1: {  	s23 =	simm.s32 $0x1B8B  }
0xa2: {  	_ =	swait.ge [sflag:s23], $0x1  }
0xa3: {  	[sflag:s23] =	ssyncset.done $0x0  }
0xa4: {  	[sflag:s23] =	ssyncadd.s32 $0xFFFFFFFF  }
0xa5: {  	s4 =	sld [smem:$0x0]  }
0xa6: {  	s5 =	sand.u32 $0xFFFFFFFE, s1  }
0xa7: {  	p0 =	sne.s32 s1, s5  }
0xa8: {  	s5 =	sshll.u32 @p0 s5, $0xE  }
0xa9: {  	s5 =	sadd.s32 @p0 $0x11B8D, s5;
	s6 =	sshll.u32 @p0 s4, $0x11  }
0xaa: {  	s5 =	sor.u32 @p0 s6, s5  }
0xab: {  	[sflag:s5] =	ssyncadd.remote.s32 @p0 $0x1;
	_ =	sdelay $0x1  }
0xac: {  	s5 =	simm.s32 @p0 $0x1B8D  }
0xad: {  	_ =	swait.eq @p0 [sflag:s5], $0x1  }
0xae: {  	[sflag:s5] =	ssyncadd.s32 @p0 $0xFFFFFFFF  }
0xaf: {  	s6 =	sshll.u32 @!p0 s1, $0xE  }
0xb0: {  	s6 =	sor.u32 @!p0 $0x4000, s6;
	s5 =	simm.s32 @!p0 $0x1B8D  }
0xb1: {  	s4 =	sshll.u32 @!p0 s4, $0x11;
	s6 =	sadd.s32 @!p0 $0x11B8D, s6;
	_ =	swait.eq @!p0 [sflag:s5], $0x1  }
0xb2: {  	s4 =	sor.u32 @!p0 s4, s6;
	[sflag:s5] =	ssyncadd.s32 @!p0 $0xFFFFFFFF  }
0xb3: {  	s25 =	simm.s32 $0x1B8E;
	s24 =	sld [smem:$0x3FFE];
	[sflag:s4] =	ssyncadd.remote.s32 @!p0 $0x1  }
0xb4: {  	s26 =	simm.s32 $execute0_lowered;
	[smem:$0x3FD2] =	sst s25  }
0xb5: {  	s5 =	sshll.u32 s26, $0x1;
	_ =	strace $0x80000049;
	[dreg:$0x1] =	wrdreg $0xFFFFFFFF  }
0xb6: {  	s28 =	simm.s32 $_size_execute0_lowered;
	s3 =	sadd.s32 s3, s5;
	[dreg:$0x0] =	wrdreg $0x0  }
0xb7: {  	s5 =	sshll.u32 s28, $0x1;
	[dreg:$0x2] =	wrdreg s3  }
0xb8: {  	[dreg:$0x3] =	wrdreg s5  }
0xb9: {  	[dreg:$0x4] =	wrdreg $0xC0  }
0xba: {  	_ =	task [dreg:s22], $0x5FFFF  }
0xbb: {  	[dreg:$0x1] =	wrdreg $0xFFFFFFFF  }
0xbc: {  	[dreg:$0x0] =	wrdreg $0x60  }
0xbd: {  	[dreg:$0x2] =	wrdreg s24  }
0xbe: {  	[dreg:$0x3] =	wrdreg $0xA  }
0xbf: {  	_ =	task.clear_ibuf [dreg:s22], $0x4FFFF;
	_ =	strace $0x90000049  }
0xc0: {  	s29 =	simm.s32 $0xA;
	_ =	strace $0x8000004B  }
0xc1: {  	_ =	swait.ge [sflag:s29], $0x1  }
0xc2: {  	[sflag:s29] =	ssyncadd.s32 $0xFFFFFFFF  }
0xc3: {  	_ =	strace $0x9000004B  }
0xc4: {  	_ =	sfence  }
0xc5: {  	s30 =	sld [smem:$0x0];
	_ =	sdelay $0x2  }
0xc6: {  	s31 =	sshll.u32 s1, $0xD;
	s1 =	sshrl.u32 s1, $0x2  }
0xc7: {  	s4 =	sand.u32 $0x4000, s31;
	s1 =	sadd.s32 s1, s30  }
0xc8: {  	s0 =	sor.u32 s4, s0;
	s1 =	sshll.u32 s1, $0x11  }
0xc9: {  	s0 =	sor.u32 s1, s0  }
0xca: {  	s0 =	sadd.s32 $0x8F2B, s0  }
0xcb: {  	[sflag:s0] =	ssyncadd.remote.s32 $0x1  }
0xcc: {  	_ =	sfence.sel $0xFFFF  }
0xcd: {  	[dreg:$0x0] =	wrdreg $0xFFFFFFFF;
	(pc) =	sbr.abs _section_cstart, $3  }
0xce: {  	[dreg:$0x1] =	wrdreg $0xFFFFFFFF  }
0xcf: {  	_ =	task.clear_ibuf [dreg:s22], $0x2FFFF;
	_ =	strace $0x9FFFFFFF  }
0xd0: {  	(tm) =	ssettm $0x7FFFFFFF  }
0xd1: {  	_ =	shalt  }
tec
execute0_lowered:
.L_overlay_start_1:
0x0: {  	(tag) =	ssettag $0x1  }
0x1: {  	s1 =	srdreg.scid  }
0x2: {  	s0 =	stileid.u32;
	s26 =	sand.u32 $0x1, s1  }
0x3: {  	s30 =	sshll.u32 s0, $0x9;
	s2 =	sshll.u32 s26, $0x8  }
0x4: {  	s23 =	rddreg [dreg:$0x0];
	s19 =	sor.u32 s2, s30  }
0x5: {  	s1 =	rddreg [dreg:$0x1];
	s2 =	simm.s32 $0x0;
	s3 =	sshrl.u32 s19, $0x3  }
0x6: {  	[smem:$0x7FF] =	sst s2;
	s13 =	sadd.s32 s3, s23  }
0x7: {  	_ =	strace $0x8000004A;
	s3 =	simm.s32 $0x4;
	s5 =	sadd.s32 $0x318A00, s13  }
0x8: {  	[tilespmem:s2], [sflag:$0x4] =	stream.linear.gather [hbm4b:s5+s2], $0x100, $0x38;
	[tilespmem:$0x8480] =	vst v63  }
0x9: {  	_ =	swait.ge [sflag:s3], $0x100  }
0xa: {  	[sflag:s3] =	ssyncset.done $0x0  }
0xb: {  	s7 =	simm.s32 $0x100;
	s6 =	sadd.s32 $0x318600, s13;
	[sflag:s3] =	ssyncadd.s32 $0xFFFFFF00  }
0xc: {  	[tilespmem:s7], [sflag:$0x4] =	stream.linear.gather [hbm4b:s6+s2], $0x100, $0x38;
	[tilespmem:$0x8480] =	vst v63  }
0xd: {  	_ =	swait.ge [sflag:s3], $0x100  }
0xe: {  	[sflag:s3] =	ssyncset.done $0x0  }
0xf: {  	s9 =	simm.s32 $0x400;
	s8 =	sadd.s32 $0x4C00, s23;
	[sflag:s3] =	ssyncadd.s32 $0xFFFFFF00  }
0x10: {  	[tilespmem:s9], [sflag:$0x4] =	stream.linear.gather [hbm4b:s8+s2], $0x80, $0x38;
	[tilespmem:$0x8480] =	vst v63  }
0x11: {  	_ =	swait.ge [sflag:s3], $0x80  }
0x12: {  	[sflag:s3] =	ssyncset.done $0x0  }
0x13: {  	s4 =	simm.s32 $0x200;
	s10 =	sadd.s32 $0x311E00, s23;
	[sflag:s3] =	ssyncadd.s32 $0xFFFFFF80  }
0x14: {  	[tilespmem:s4], [sflag:$0x3] =	stream.indirect.gather [hbm4b:s10+s7], $0x1, s2, s7, $0xb8;
	[tilespmem:$0x8480] =	vst v63  }
0x15: {  	s12 =	simm.s32 $0x300;
	s11 =	sadd.s32 $0x315000, s23  }
0x16: {  	[tilespmem:s12], [sflag:$0x3] =	stream.indirect.gather [hbm4b:s11+s7], $0x1, s7, s7, $0xb8;
	[tilespmem:$0x8480] =	vst v63  }
0x17: {  	s15 =	simm.s32 $0x80;
	s16 =	simm.s32 $0x480;
	s14 =	sadd.s32 $0x318E00, s23  }
0x18: {  	[tilespmem:s16], [sflag:$0x1] =	stream.indirect.gather [hbm4b:s14+s15], $0x80, s2, s15, $0xb8;
	[tilespmem:$0x8480] =	vst v63  }
0x19: {  	s17 =	simm.s32 $0x4480;
	s18 =	simm.s32 $0x1  }
0x1a: {  	[tilespmem:s17], [sflag:$0x2] =	stream.indirect.gather [hbm4b:s14+s15], $0x80, s15, s15, $0xb8;
	[tilespmem:$0x8480] =	vst v63  }
0x1b: {  	_ =	swait.ge [sflag:s18], $0x4000  }
0x1c: {  	s21 =	sadd.s32 $0x45200, s23;
	s24 =	sshll.u32 s19, $0x4;
	[sflag:s18] =	ssyncset.done $0x0  }
0x1d: {  	s19 =	sadd.s32 s21, s24;
	[sflag:s18] =	ssyncadd.s32 $0xFFFFC000  }
0x1e: {  	[hbm4b:s19+s2] =	stream.linear.scatter [tilespmem:s16], [sflag:$0x4], $0x4000, $0x38;
	[tilespmem:$0x8480] =	vst v63  }
0x1f: {  	_ =	swait.ge [sflag:s3], $0x4000  }
0x20: {  	[sflag:s3] =	ssyncset.done $0x0  }
0x21: {  	s20 =	simm.s32 $0x2;
	[sflag:s3] =	ssyncadd.s32 $0xFFFFC000  }
0x22: {  	[tilespmem:s16], [sflag:$0x1] =	stream.indirect.gather [hbm4b:s14+s15], $0x80, s7, s15, $0xb8;
	[tilespmem:$0x8480] =	vst v63  }
0x23: {  	_ =	swait.ge [sflag:s20], $0x4000  }
0x24: {  	s25 =	sor.u32 $0x800, s24;
	[sflag:s20] =	ssyncset.done $0x0  }
0x25: {  	s21 =	sadd.s32 s21, s25;
	[sflag:s20] =	ssyncadd.s32 $0xFFFFC000  }
0x26: {  	[hbm4b:s21+s2] =	stream.linear.scatter [tilespmem:s17], [sflag:$0x4], $0x4000, $0x38;
	[tilespmem:$0x8480] =	vst v63  }
0x27: {  	_ =	swait.ge [sflag:s3], $0x4000  }
0x28: {  	[sflag:s3] =	ssyncset.done $0x0  }
0x29: {  	s22 =	simm.s32 $0x180;
	[sflag:s3] =	ssyncadd.s32 $0xFFFFC000  }
0x2a: {  	[tilespmem:s17], [sflag:$0x2] =	stream.indirect.gather [hbm4b:s14+s15], $0x80, s22, s15, $0xb8;
	[tilespmem:$0x8480] =	vst v63  }
0x2b: {  	_ =	swait.ge [sflag:s18], $0x4000  }
0x2c: {  	s28 =	sadd.s32 $0x65200, s23;
	[sflag:s18] =	ssyncset.done $0x0  }
0x2d: {  	s23 =	sadd.s32 s28, s24;
	[sflag:s18] =	ssyncadd.s32 $0xFFFFC000  }
0x2e: {  	[hbm4b:s23+s2] =	stream.linear.scatter [tilespmem:s16], [sflag:$0x4], $0x4000, $0x38;
	[tilespmem:$0x8480] =	vst v63  }
0x2f: {  	_ =	swait.ge [sflag:s3], $0x4000  }
0x30: {  	[sflag:s3] =	ssyncset.done $0x0  }
0x31: {  	[sflag:s3] =	ssyncadd.s32 $0xFFFFC000  }
0x32: {  	_ =	swait.ge [sflag:s20], $0x4000  }
0x33: {  	[sflag:s20] =	ssyncset.done $0x0  }
0x34: {  	s24 =	sadd.s32 s28, s25;
	[sflag:s20] =	ssyncadd.s32 $0xFFFFC000  }
0x35: {  	[hbm4b:s24+s2] =	stream.linear.scatter [tilespmem:s17], [sflag:$0x4], $0x4000, $0x38;
	[tilespmem:$0x8480] =	vst v63  }
0x36: {  	_ =	swait.ge [sflag:s3], $0x4000  }
0x37: {  	[sflag:s3] =	ssyncset.done $0x0  }
0x38: {  	s25 =	simm.s32 $0x3;
	[sflag:s3] =	ssyncadd.s32 $0xFFFFC000  }
0x39: {  	_ =	swait.ge [sflag:s25], $0x100  }
0x3a: {  	[sflag:s25] =	ssyncset.done $0x0  }
0x3b: {  	[sflag:s25] =	ssyncadd.s32 $0xFFFFFF00  }
0x3c: {  	_ =	swait.ge [sflag:s25], $0x100  }
0x3d: {  	[sflag:s25] =	ssyncset.done $0x0  }
0x3e: {  	[sflag:s25] =	ssyncadd.s32 $0xFFFFFF00  }
0x3f: {  	v3 =	vld [tilespmem:$0x3A0]  }
0x40: {  	v0 =	vld [tilespmem:$0x400]  }
0x41: {  	s26 =	ssub.s32 $0x2, s26;
	v2 =	vld [tilespmem:$0x3B0]  }
0x42: {  	s31 =	sshrl.u32 s26, $0x1;
	v6 =	vld [tilespmem:$0x390]  }
0x43: {  	s26 =	ssub.s32 s26, s31;
	v1 =	vld [tilespmem:$0x2E0]  }
0x44: {  	s26 =	smax.u32 s26, $0x1;
	v5 =	vld [tilespmem:$0x2A0]  }
0x45: {  	p0 =	sne.s32 s26, $0x1;
	v4 =	vld [tilespmem:$0x2B0]  }
.Ltmp0:
0x46: {  	v8 =	vld [tilespmem:$0x380];
	(pc) =	sbr.rel @!p0 .LBB2_2-.Ltmp0, $4  }
0x47: {  	v7 =	vld [tilespmem:$0x290]  }
0x48: {  	v9 =	vld [tilespmem:$0x280]  }
0x49: {  	v10 =	vld [tilespmem:$0x3F0]  }
0x4a: {  	s13 =	sadd.s32 $0x85200, s13;
	s26 =	sadd.s32 $0xFFFFFFFF, s26;
	v11 =	vld [tilespmem:$0x340]  }
.LBB2_1:
0x4b: {  	p0 =	sne.s32 s26, $0x1;
	s26 =	sadd.s32 $0xFFFFFFFF, s26;
	v12 =	vld [tilespmem:$0x320]  }
0x4c: {  	v13 =	vld [tilespmem:$0x350]  }
0x4d: {  	v14 =	vld [tilespmem:$0x240]  }
0x4e: {  	v15 =	vld [tilespmem:$0x200]  }
0x4f: {  	v16 =	vld [tilespmem:$0x330]  }
0x50: {  	v17 =	vld [tilespmem:$0x260]  }
0x51: {  	v18 =	vld [tilespmem:$0x220]  }
0x52: {  	v19 =	vld [tilespmem:$0x2F0]  }
0x53: {  	v20 =	vld [tilespmem:$0x230]  }
0x54: {  	v21 =	vld [tilespmem:$0x250]  }
0x55: {  	v22 =	vld [tilespmem:$0x360]  }
0x56: {  	v11 =	vadd.f32 v11, v14;
	v23 =	vld [tilespmem:$0x300];
	v12 =	vadd.f32 v12, v18  }
0x57: {  	v8 =	vadd.f32 v8, v9;
	v14 =	vld [tilespmem:$0x310];
	v9 =	vadd.f32 v10, v19  }
0x58: {  	v11 =	vadd.f32 v11, v0;
	v10 =	vld [tilespmem:$0x210];
	v16 =	vadd.f32 v16, v20  }
0x59: {  	v6 =	vadd.f32 v6, v7;
	v8 =	vadd.f32 v8, v0;
	v7 =	vld [tilespmem:$0x2D0]  }
0x5a: {  	v9 =	vadd.f32 v9, v0;
	[tilespmem:$0x240] =	vst v11;
	v11 =	vadd.f32 v13, v21;
	v13 =	vld [tilespmem:$0x3D0]  }
0x5b: {  	v6 =	vadd.f32 v6, v0;
	v17 =	vadd.f32 v22, v17;
	v18 =	vld [tilespmem:$0x370];
	[tilespmem:$0x280] =	vst v8  }
0x5c: {  	v3 =	vadd.f32 v3, v5;
	v8 =	vadd.f32 v16, v0;
	v16 =	vld [tilespmem:$0x270];
	[tilespmem:$0x2F0] =	vst v9  }
0x5d: {  	v2 =	vadd.f32 v2, v4;
	v5 =	vadd.f32 v23, v15;
	[tilespmem:$0x290] =	vst v6;
	v4 =	vld [tilespmem:$0x3E0]  }
0x5e: {  	v3 =	vadd.f32 v3, v0;
	v6 =	vadd.f32 v17, v0;
	[tilespmem:$0x230] =	vst v8;
	v8 =	vld [tilespmem:$0x2C0]  }
0x5f: {  	v2 =	vadd.f32 v2, v0;
	v9 =	vadd.f32 v14, v10  }
0x60: {  	v10 =	vadd.f32 v11, v0;
	v7 =	vadd.f32 v13, v7;
	[tilespmem:$0x260] =	vst v6;
	v6 =	vld [tilespmem:$0x3C0]  }
0x61: {  	v11 =	vadd.f32 v12, v0;
	v12 =	vadd.f32 v18, v16  }
0x62: {  	v7 =	vadd.f32 v7, v0;
	[tilespmem:$0x250] =	vst v10;
	v1 =	vadd.f32 v4, v1  }
0x63: {  	v4 =	vadd.f32 v5, v0;
	[tilespmem:$0x220] =	vst v11;
	v5 =	vadd.f32 v12, v0  }
0x64: {  	v9 =	vadd.f32 v9, v0;
	[tilespmem:$0x2A0] =	vst v3;
	v1 =	vadd.f32 v1, v0  }
0x65: {  	[tilespmem:$0x200] =	vst v4;
	v3 =	vadd.f32 v6, v8  }
0x66: {  	[tilespmem:$0x2B0] =	vst v2  }
0x67: {  	v0 =	vadd.f32 v3, v0;
	[tilespmem:$0x2D0] =	vst v7  }
0x68: {  	[tilespmem:$0x2E0] =	vst v1  }
0x69: {  	[tilespmem:$0x270] =	vst v5  }
0x6a: {  	[tilespmem:$0x2C0] =	vst v0  }
0x6b: {  	[tilespmem:$0x210] =	vst v9  }
0x6c: {  	[hbm4b:s13+s2] =	stream.linear.scatter [tilespmem:s4], [sflag:$0x4], $0x100, $0x38;
	[tilespmem:$0x8480] =	vst v63  }
0x6d: {  	_ =	swait.ge [sflag:s3], $0x100  }
0x6e: {  	[sflag:s3] =	ssyncset.done $0x0  }
0x6f: {  	[sflag:s3] =	ssyncadd.s32 $0xFFFFFF00  }
0x70: {  	[tilespmem:s2], [sflag:$0x4] =	stream.linear.gather [hbm4b:s5+s2], $0x100, $0x38;
	[tilespmem:$0x8480] =	vst v63  }
0x71: {  	_ =	swait.ge [sflag:s3], $0x100  }
0x72: {  	[sflag:s3] =	ssyncset.done $0x0  }
0x73: {  	[sflag:s3] =	ssyncadd.s32 $0xFFFFFF00  }
0x74: {  	[tilespmem:s7], [sflag:$0x4] =	stream.linear.gather [hbm4b:s6+s2], $0x100, $0x38;
	[tilespmem:$0x8480] =	vst v63  }
0x75: {  	_ =	swait.ge [sflag:s3], $0x100  }
0x76: {  	[sflag:s3] =	ssyncset.done $0x0  }
0x77: {  	[sflag:s3] =	ssyncadd.s32 $0xFFFFFF00  }
0x78: {  	[tilespmem:s9], [sflag:$0x4] =	stream.linear.gather [hbm4b:s8+s2], $0x80, $0x38;
	[tilespmem:$0x8480] =	vst v63  }
0x79: {  	_ =	swait.ge [sflag:s3], $0x80  }
0x7a: {  	[sflag:s3] =	ssyncset.done $0x0  }
0x7b: {  	[sflag:s3] =	ssyncadd.s32 $0xFFFFFF80  }
0x7c: {  	[tilespmem:s4], [sflag:$0x3] =	stream.indirect.gather [hbm4b:s10+s7], $0x1, s2, s7, $0xb8;
	[tilespmem:$0x8480] =	vst v63  }
0x7d: {  	_ = 	snop  }
0x7e: {  	[tilespmem:s12], [sflag:$0x3] =	stream.indirect.gather [hbm4b:s11+s7], $0x1, s7, s7, $0xb8;
	[tilespmem:$0x8480] =	vst v63  }
0x7f: {  	_ = 	snop  }
0x80: {  	[tilespmem:s16], [sflag:$0x1] =	stream.indirect.gather [hbm4b:s14+s15], $0x80, s2, s15, $0xb8;
	[tilespmem:$0x8480] =	vst v63  }
0x81: {  	_ = 	snop  }
0x82: {  	[tilespmem:s17], [sflag:$0x2] =	stream.indirect.gather [hbm4b:s14+s15], $0x80, s15, s15, $0xb8;
	[tilespmem:$0x8480] =	vst v63  }
0x83: {  	_ =	swait.ge [sflag:s18], $0x4000  }
0x84: {  	[sflag:s18] =	ssyncset.done $0x0  }
0x85: {  	[sflag:s18] =	ssyncadd.s32 $0xFFFFC000  }
0x86: {  	[hbm4b:s19+s2] =	stream.linear.scatter [tilespmem:s16], [sflag:$0x4], $0x4000, $0x38;
	[tilespmem:$0x8480] =	vst v63  }
0x87: {  	_ =	swait.ge [sflag:s3], $0x4000  }
0x88: {  	[sflag:s3] =	ssyncset.done $0x0  }
0x89: {  	[sflag:s3] =	ssyncadd.s32 $0xFFFFC000  }
0x8a: {  	[tilespmem:s16], [sflag:$0x1] =	stream.indirect.gather [hbm4b:s14+s15], $0x80, s7, s15, $0xb8;
	[tilespmem:$0x8480] =	vst v63  }
0x8b: {  	_ =	swait.ge [sflag:s20], $0x4000  }
0x8c: {  	[sflag:s20] =	ssyncset.done $0x0  }
0x8d: {  	[sflag:s20] =	ssyncadd.s32 $0xFFFFC000  }
0x8e: {  	[hbm4b:s21+s2] =	stream.linear.scatter [tilespmem:s17], [sflag:$0x4], $0x4000, $0x38;
	[tilespmem:$0x8480] =	vst v63  }
0x8f: {  	_ =	swait.ge [sflag:s3], $0x4000  }
0x90: {  	[sflag:s3] =	ssyncset.done $0x0  }
0x91: {  	[sflag:s3] =	ssyncadd.s32 $0xFFFFC000  }
0x92: {  	[tilespmem:s17], [sflag:$0x2] =	stream.indirect.gather [hbm4b:s14+s15], $0x80, s22, s15, $0xb8;
	[tilespmem:$0x8480] =	vst v63  }
0x93: {  	_ =	swait.ge [sflag:s18], $0x4000  }
0x94: {  	[sflag:s18] =	ssyncset.done $0x0  }
0x95: {  	[sflag:s18] =	ssyncadd.s32 $0xFFFFC000  }
0x96: {  	[hbm4b:s23+s2] =	stream.linear.scatter [tilespmem:s16], [sflag:$0x4], $0x4000, $0x38;
	[tilespmem:$0x8480] =	vst v63  }
0x97: {  	_ =	swait.ge [sflag:s3], $0x4000  }
0x98: {  	[sflag:s3] =	ssyncset.done $0x0  }
0x99: {  	[sflag:s3] =	ssyncadd.s32 $0xFFFFC000  }
0x9a: {  	_ =	swait.ge [sflag:s20], $0x4000  }
0x9b: {  	[sflag:s20] =	ssyncset.done $0x0  }
0x9c: {  	[sflag:s20] =	ssyncadd.s32 $0xFFFFC000  }
0x9d: {  	[hbm4b:s24+s2] =	stream.linear.scatter [tilespmem:s17], [sflag:$0x4], $0x4000, $0x38;
	[tilespmem:$0x8480] =	vst v63  }
0x9e: {  	_ =	swait.ge [sflag:s3], $0x4000  }
0x9f: {  	[sflag:s3] =	ssyncset.done $0x0  }
0xa0: {  	[sflag:s3] =	ssyncadd.s32 $0xFFFFC000  }
0xa1: {  	_ =	swait.ge [sflag:s25], $0x100  }
0xa2: {  	[sflag:s25] =	ssyncset.done $0x0  }
0xa3: {  	[sflag:s25] =	ssyncadd.s32 $0xFFFFFF00  }
0xa4: {  	_ =	swait.ge [sflag:s25], $0x100  }
0xa5: {  	[sflag:s25] =	ssyncset.done $0x0  }
0xa6: {  	[sflag:s25] =	ssyncadd.s32 $0xFFFFFF00  }
0xa7: {  	v3 =	vld [tilespmem:$0x3A0]  }
0xa8: {  	v0 =	vld [tilespmem:$0x400]  }
0xa9: {  	v2 =	vld [tilespmem:$0x3B0]  }
0xaa: {  	v6 =	vld [tilespmem:$0x390]  }
0xab: {  	v1 =	vld [tilespmem:$0x2E0]  }
0xac: {  	v5 =	vld [tilespmem:$0x2A0]  }
0xad: {  	v4 =	vld [tilespmem:$0x2B0]  }
.Ltmp1:
0xae: {  	v8 =	vld [tilespmem:$0x380];
	(pc) =	sbr.rel @p0 .LBB2_1-.Ltmp1, $4  }
0xaf: {  	v7 =	vld [tilespmem:$0x290]  }
0xb0: {  	v9 =	vld [tilespmem:$0x280]  }
0xb1: {  	v10 =	vld [tilespmem:$0x3F0]  }
0xb2: {  	v11 =	vld [tilespmem:$0x340]  }
.LBB2_2:
0xb3: {  	v12 =	vld [tilespmem:$0x320]  }
0xb4: {  	v13 =	vld [tilespmem:$0x350]  }
0xb5: {  	v14 =	vld [tilespmem:$0x240]  }
0xb6: {  	v15 =	vld [tilespmem:$0x200]  }
0xb7: {  	v16 =	vld [tilespmem:$0x330]  }
0xb8: {  	v17 =	vld [tilespmem:$0x260]  }
0xb9: {  	v19 =	vld [tilespmem:$0x2F0]  }
0xba: {  	v20 =	vld [tilespmem:$0x230]  }
0xbb: {  	v21 =	vld [tilespmem:$0x250]  }
0xbc: {  	v22 =	vld [tilespmem:$0x360]  }
0xbd: {  	v43 =	vld [tilespmem:$0x300];
	v3 =	vadd.f32 v3, v5  }
0xbe: {  	v44 =	vld [tilespmem:$0x310];
	v2 =	vadd.f32 v2, v4  }
0xbf: {  	v45 =	vld [tilespmem:$0x2D0];
	v6 =	vadd.f32 v6, v7;
	v3 =	vadd.f32 v3, v0  }
0xc0: {  	v46 =	vld [tilespmem:$0x3D0];
	v8 =	vadd.f32 v8, v9;
	v2 =	vadd.f32 v2, v0  }
0xc1: {  	v47 =	vld [tilespmem:$0x370];
	v6 =	vadd.f32 v6, v0;
	[tilespmem:$0x2A0] =	vst v3;
	v11 =	vadd.f32 v11, v14  }
0xc2: {  	v50 =	vld [tilespmem:$0x270];
	v8 =	vadd.f32 v8, v0;
	[tilespmem:$0x2B0] =	vst v2;
	v10 =	vadd.f32 v10, v19  }
0xc3: {  	v52 =	vld [tilespmem:$0x3E0];
	v16 =	vadd.f32 v16, v20;
	[tilespmem:$0x290] =	vst v6;
	v11 =	vadd.f32 v11, v0  }
0xc4: {  	v54 =	vld [tilespmem:$0x2C0];
	v17 =	vadd.f32 v22, v17;
	[tilespmem:$0x280] =	vst v8;
	v10 =	vadd.f32 v10, v0  }
0xc5: {  	v56 =	vld [tilespmem:$0x3C0];
	v48 =	vadd.f32 v13, v21;
	v49 =	vadd.f32 v16, v0;
	[tilespmem:$0x240] =	vst v11  }
0xc6: {  	v57 =	vld [tilespmem:$0x210];
	v55 =	vadd.f32 v43, v15;
	v53 =	vadd.f32 v17, v0;
	[tilespmem:$0x2F0] =	vst v10  }
0xc7: {  	v18 =	vld [tilespmem:$0x220];
	v58 =	vadd.f32 v46, v45;
	v8 =	vadd.f32 v48, v0;
	[tilespmem:$0x230] =	vst v49  }
0xc8: {  	v1 =	vadd.f32 v52, v1;
	v59 =	vadd.f32 v55, v0;
	[tilespmem:$0x260] =	vst v53  }
0xc9: {  	v60 =	vadd.f32 v47, v50;
	v4 =	vadd.f32 v58, v0;
	[tilespmem:$0x250] =	vst v8  }
0xca: {  	v5 =	vadd.f32 v56, v54;
	v1 =	vadd.f32 v1, v0;
	[tilespmem:$0x200] =	vst v59  }
0xcb: {  	v61 =	vadd.f32 v44, v57;
	v3 =	vadd.f32 v60, v0;
	[tilespmem:$0x2D0] =	vst v4  }
0xcc: {  	v51 =	vadd.f32 v12, v18;
	v62 =	vadd.f32 v5, v0;
	[tilespmem:$0x2E0] =	vst v1  }
0xcd: {  	v63 =	vadd.f32 v61, v0;
	[tilespmem:$0x270] =	vst v3  }
0xce: {  	v10 =	vadd.f32 v51, v0;
	[tilespmem:$0x2C0] =	vst v62  }
0xcf: {  	[tilespmem:$0x210] =	vst v63  }
0xd0: {  	[tilespmem:$0x220] =	vst v10  }
0xd1: {  	[hbm4b:s13+s2] =	stream.linear.scatter [tilespmem:s4], [sflag:$0x4], $0x100, $0x38;
	[tilespmem:$0x8480] =	vst v63  }
0xd2: {  	_ =	swait.ge [sflag:s3], $0x100  }
0xd3: {  	[sflag:s3] =	ssyncset.done $0x0  }
0xd4: {  	[sflag:s3] =	ssyncadd.s32 $0xFFFFFF00  }
0xd5: {  	_ =	sfence.sel $0x180000  }
0xd6: {  	[bflag:$0x0] =	sbarrier.arrive $0xFFFF  }
0xd7: {  	p0 =	sne.s32 s0, $0x0;
	_ =	strace $0x9000004A  }
0xd8: {  	s0 =	sadd.s32 @!p0 $0x100000, s1;
	[bflag:$0x2] =	sbarrier.arrive $0xFFFF  }
0xd9: {  	[sflag:s0] =	ssyncadd.tile.s32 @!p0 $0x1;
	_ =	shalt  }
.Lfunc_end2:
_tile_overlayer_lowered:
.L_overlay_start_2:
0xda: {  	(tag) =	ssettag $0x2  }
0xdb: {  	s0 =	rddreg [dreg:$0x0];
	s2 =	stileid.u32  }
0xdc: {  	s1 =	rddreg [dreg:$0x1];
	p0 =	sne.s32 s2, $0x0  }
0xdd: {  	s3 =	rddreg [dreg:$0x2];
	[bflag:$0x3] =	sbarrier.arrive $0xFFFF;
	s2 =	simm.s32 @!p0 $0x1C04  }
0xde: {  	[timem:s3], [sflag:s2] =	dma.local @!p0 [hbm:s0], s1  }
0xdf: {  	s0 =	simm.s32 @!p0 $0x4  }
0xe0: {  	_ =	swait.ge @!p0 [sflag:s0], s1  }
0xe1: {  	s1 =	ssub.s32 @!p0 $0x0, s1;
	[sflag:s0] =	ssyncset.done @!p0 $0x0  }
0xe2: {  	[sflag:s0] =	ssyncadd.s32 @!p0 s1  }
0xe3: {  	[bflag:$0x3] =	sbarrier.arrive $0xFFFF  }
0xe4: {  	_ =	shalt  }

</sc_bundles>
